<compile_context>
chip_gen: v7x
topology: tpu7x:2x2x1
jax: 0.10.2.dev20260603
libtpu: 0.0.44.dev20260713+nightly
codegen_flags: <defaults>
</compile_context>

<pallas_src>
import functools
import jax
import jax.numpy as jnp
from jax import lax
from jax.experimental import pallas as pl
from jax.experimental.pallas import tpu as pltpu
from jax.experimental.pallas import tpu_sc as plsc

D = 64
DP = 128
SCALE = 8.0
NC, NS = 2, 16
NW = NC * NS
SPLITS = ((0, 104), (104, 96))


@functools.lru_cache(maxsize=None)
def _build(R, S, V):
    rows_per_w = R // NW
    mesh = plsc.VectorSubcoreMesh(core_axis_name="c", subcore_axis_name="s")

    @functools.partial(
        pl.kernel,
        out_type=jax.ShapeDtypeStruct((R, S, D), jnp.float32),
        mesh=mesh,
        compiler_params=pltpu.CompilerParams(
            use_tc_tiling_on_sc=True, needs_layout_passes=False),
        scratch_types=[
            pltpu.VMEM((S,), jnp.int32),
            pltpu.VMEM((S,), jnp.int32),
            pltpu.VMEM((S, DP), jnp.float32),
            pltpu.VMEM((S, DP), jnp.float32),
            pltpu.VMEM((S, D), jnp.float32),
            pltpu.VMEM((S, D), jnp.float32),
            pltpu.SemaphoreType.DMA,
            pltpu.SemaphoreType.DMA,
        ],
    )
    def emb(idx_hbm, table_hbm, out_hbm, ix0, ix1, rw0, rw1, ob0, ob1,
            gsem, osem):
        wid = lax.axis_index("s") * NC + lax.axis_index("c")
        row0 = wid * rows_per_w
        ixs = (ix0, ix1)
        rws = (rw0, rw1)
        obs = (ob0, ob1)

        def fire(g, p):
            pltpu.sync_copy(idx_hbm.at[row0 + g], ixs[p])
            for off, ln in SPLITS:
                pltpu.async_copy(
                    table_hbm.at[ixs[p].at[pl.ds(off, ln)]],
                    rws[p].at[pl.ds(off, ln)],
                    gsem,
                )

        def drain_gather(p):
            for off, ln in SPLITS:
                pltpu.make_async_copy(
                    table_hbm.at[ixs[p].at[pl.ds(off, ln)]],
                    rws[p].at[pl.ds(off, ln)],
                    gsem,
                ).wait()

        def out_copy(g, p):
            return pltpu.make_async_copy(obs[p], out_hbm.at[row0 + g], osem)

        def compact(p):
            rw = rws[p]
            ob = obs[p]

            def cbody(c2, carry):
                for u in range(2):
                    c = c2 * 2 + u
                    for k in range(D // 16):
                        s = pl.ds(k * 16, 16)
                        ob[c, s] = rw[c, s]
                return carry

            lax.fori_loop(0, S // 2, cbody, 0)

        fire(0, 0)
        fire(1, 1)

        def pairstep(h, carry):
            for sub in range(2):
                g = h * 2 + sub

                @pl.when(h > 0)
                def _():
                    out_copy(g - 2, sub).wait()
                drain_gather(sub)
                compact(sub)
                out_copy(g, sub).start()

                @pl.when(g + 2 < rows_per_w)
                def _():
                    fire(g + 2, sub)
            return carry

        lax.fori_loop(0, rows_per_w // 2, pairstep, 0)
        for p in range(2):
            out_copy(rows_per_w - 2 + p, p).wait()

    return emb


TBLK = 4096


@functools.lru_cache(maxsize=None)
def _prep(V):
    grid = (V + TBLK - 1) // TBLK

    def body(i_ref, o_ref):
        t = i_ref[...].T * SCALE
        o_ref[...] = jnp.pad(t, ((0, 0), (0, DP - D)))

    return pl.pallas_call(
        body,
        grid=(grid,),
        in_specs=[pl.BlockSpec((D, TBLK), lambda i: (0, i))],
        out_specs=pl.BlockSpec((TBLK, DP), lambda i: (i, 0)),
        out_shape=jax.ShapeDtypeStruct((V, DP), jnp.float32),
    )


def kernel(x, lut):
    R, S = x.shape
    V = lut.shape[0]
    tp = _prep(V)(lut.T)
    return _build(R, S, V)(x.astype(jnp.int32), tp)

# --- scband reference (transcript-rebuilt; emitter-appended) ---
"""Pipeline reference for scband-embeddings-32744830665348 (READ-ONLY COPY).

The authoritative reference and input builder live on the scoring server;
editing this copy changes nothing except your own understanding.
"""

import jax, jax.numpy as jnp
import numpy as np
import math

D_MODEL = 64
VOCAB = 1000000

def setup_inputs(seed: int = 0) -> dict:
    key = jax.random.key(seed)
    k1, k2 = jax.random.split(key)
    x = jax.random.randint(k1, (4096, 200), 0, VOCAB, dtype=jnp.int64 if jax.config.read('jax_enable_x64') else jnp.int32)
    lut = jax.random.normal(k2, (VOCAB, D_MODEL), dtype=jnp.float32)
    return {"x": x, "lut": lut}

def reference(x, lut):
    # Embeddings.forward: self.lut(x) * sqrt(d_model)
    emb = jnp.take(lut, x, axis=0)
    return emb * math.sqrt(D_MODEL)

if __name__ == "__main__":
    import jax
    _d = setup_inputs()
    print(jax.jit(kernel)(*tuple(_d.values())))

</pallas_src>

<mosaic_0001>
#map = affine_map<(d0, d1) -> (0, 0)>
#map1 = affine_map<(d0, d1) -> (0, 0, 0)>
module attributes {stable_mosaic.version = 14 : i64} {
  func.func @emb(%arg0: i32, %arg1: i32, %arg2: memref<4096x200xi32, #tpu.memory_space<hbm>>, %arg3: memref<1000000x128xf32, #tpu.memory_space<hbm>>, %arg4: memref<4096x200x64xf32, #tpu.memory_space<hbm>>, %arg5: memref<200xi32, #tpu.memory_space<vmem>>, %arg6: memref<200xi32, #tpu.memory_space<vmem>>, %arg7: memref<200x128xf32, #tpu.memory_space<vmem>>, %arg8: memref<200x128xf32, #tpu.memory_space<vmem>>, %arg9: memref<200x64xf32, #tpu.memory_space<vmem>>, %arg10: memref<200x64xf32, #tpu.memory_space<vmem>>, %arg11: memref<!tpu.dma_semaphore, #tpu.memory_space<semaphore_mem>>, %arg12: memref<!tpu.dma_semaphore, #tpu.memory_space<semaphore_mem>>) attributes {dimension_semantics = [#tpu.dimension_semantics<core_parallel>, #tpu.dimension_semantics<subcore_parallel>], iteration_bounds = array<i64: 2, 16>, scalar_prefetch = 0 : i64, scratch_operands = 8 : i64, tpu.core_type = #tpu.core_type<sc_vector_subcore>, window_params = [{transform_indices = #map}, {transform_indices = #map}, {transform_indices = #map1}]} {
    %mul3A = arith.constant 2 : i32
    %mul3A_0 = arith.muli %arg1, %mul3A : i32
    %add3A = arith.addi %mul3A_0, %arg0 : i32
    %mul3A_1 = arith.constant 128 : i32
    %mul3A_2 = arith.muli %add3A, %mul3A_1 : i32
    %add3A_3 = arith.constant 0 : i32
    %add3A_4 = arith.addi %mul3A_2, %add3A_3 : i32
    "tpu.region"() ({
      %run_scoped3A = tpu.sem_alloc : memref<!tpu.dma_semaphore, #tpu.memory_space<semaphore_mem>>
      %dma_start3A_62 = arith.constant 0 : i32
      %dma_start3A_63 = tpu.memref_slice %arg2[%add3A_4, %dma_start3A_62] : memref<4096x200xi32, #tpu.memory_space<hbm>> -> memref<1x200xi32, #tpu.memory_space<hbm>>
      %dma_start3A_64 = tpu.memref_squeeze %dma_start3A_63 : memref<1x200xi32, #tpu.memory_space<hbm>> -> memref<200xi32, #tpu.memory_space<hbm>>
      %dma_start3A_65 = arith.constant 0 : i32
      %dma_start3A_66 = tpu.memref_slice %arg2[%add3A_4, %dma_start3A_65] : memref<4096x200xi32, #tpu.memory_space<hbm>> -> memref<1x200xi32, #tpu.memory_space<hbm>>
      %dma_start3A_67 = tpu.memref_squeeze %dma_start3A_66 : memref<1x200xi32, #tpu.memory_space<hbm>> -> memref<200xi32, #tpu.memory_space<hbm>>
      tpu.enqueue_dma source(%dma_start3A_67 : memref<200xi32, #tpu.memory_space<hbm>>) target(%arg5 : memref<200xi32, #tpu.memory_space<vmem>>) target_semaphore(%run_scoped3A : memref<!tpu.dma_semaphore, #tpu.memory_space<semaphore_mem>>)
      %dma_wait3A_68 = arith.constant 0 : i32
      %dma_wait3A_69 = tpu.memref_slice %arg2[%add3A_4, %dma_wait3A_68] : memref<4096x200xi32, #tpu.memory_space<hbm>> -> memref<1x200xi32, #tpu.memory_space<hbm>>
      %dma_wait3A_70 = tpu.memref_squeeze %dma_wait3A_69 : memref<1x200xi32, #tpu.memory_space<hbm>> -> memref<200xi32, #tpu.memory_space<hbm>>
      %dma_wait3A_71 = arith.constant 0 : i32
      %dma_wait3A_72 = tpu.memref_slice %arg2[%add3A_4, %dma_wait3A_71] : memref<4096x200xi32, #tpu.memory_space<hbm>> -> memref<1x200xi32, #tpu.memory_space<hbm>>
      %dma_wait3A_73 = tpu.memref_squeeze %dma_wait3A_72 : memref<1x200xi32, #tpu.memory_space<hbm>> -> memref<200xi32, #tpu.memory_space<hbm>>
      tpu.wait_dma2 semaphore(%run_scoped3A : memref<!tpu.dma_semaphore, #tpu.memory_space<semaphore_mem>>) src(%dma_wait3A_73 : memref<200xi32, #tpu.memory_space<hbm>>) dst(%arg5 : memref<200xi32, #tpu.memory_space<vmem>>)
      tpu.yield
    }) : () -> ()
    %dma_start3A = arith.constant 0 : i32
    %dma_start3A_5 = arith.constant 0 : i32
    %dma_start3A_6 = tpu.memref_slice %arg7[%dma_start3A, %dma_start3A_5] : memref<200x128xf32, #tpu.memory_space<vmem>> -> memref<104x128xf32, #tpu.memory_space<vmem>>
    %dma_start3A_7 = arith.constant 0 : i32
    %dma_start3A_8 = tpu.memref_slice %arg5[%dma_start3A_7] : memref<200xi32, #tpu.memory_space<vmem>> -> memref<104xi32, #tpu.memory_space<vmem>>
    %dma_start3A_9 = arith.constant 0 : i32
    %dma_start3A_10 = arith.constant 0 : i32
    %dma_start3A_11 = tpu.memref_slice %arg3[%dma_start3A_9, %dma_start3A_10] : memref<1000000x128xf32, #tpu.memory_space<hbm>> -> memref<1000000x128xf32, #tpu.memory_space<hbm>>
    tpu.enqueue_indirect_dma source(%dma_start3A_11 : memref<1000000x128xf32, #tpu.memory_space<hbm>>) target(%dma_start3A_6 : memref<104x128xf32, #tpu.memory_space<vmem>>) offsets(%dma_start3A_8 : memref<104xi32, #tpu.memory_space<vmem>>) semaphore(%arg11 : memref<!tpu.dma_semaphore, #tpu.memory_space<semaphore_mem>>)
    %dma_start3A_12 = arith.constant 104 : i32
    %dma_start3A_13 = arith.constant 0 : i32
    %dma_start3A_14 = tpu.memref_slice %arg7[%dma_start3A_12, %dma_start3A_13] : memref<200x128xf32, #tpu.memory_space<vmem>> -> memref<96x128xf32, #tpu.memory_space<vmem>>
    %dma_start3A_15 = arith.constant 104 : i32
    %dma_start3A_16 = tpu.memref_slice %arg5[%dma_start3A_15] : memref<200xi32, #tpu.memory_space<vmem>> -> memref<96xi32, #tpu.memory_space<vmem>>
    %dma_start3A_17 = arith.constant 0 : i32
    %dma_start3A_18 = arith.constant 0 : i32
    %dma_start3A_19 = tpu.memref_slice %arg3[%dma_start3A_17, %dma_start3A_18] : memref<1000000x128xf32, #tpu.memory_space<hbm>> -> memref<1000000x128xf32, #tpu.memory_space<hbm>>
    tpu.enqueue_indirect_dma source(%dma_start3A_19 : memref<1000000x128xf32, #tpu.memory_space<hbm>>) target(%dma_start3A_14 : memref<96x128xf32, #tpu.memory_space<vmem>>) offsets(%dma_start3A_16 : memref<96xi32, #tpu.memory_space<vmem>>) semaphore(%arg11 : memref<!tpu.dma_semaphore, #tpu.memory_space<semaphore_mem>>)
    %add3A_20 = arith.constant 1 : i32
    %add3A_21 = arith.addi %mul3A_2, %add3A_20 : i32
    "tpu.region"() ({
      %run_scoped3A = tpu.sem_alloc : memref<!tpu.dma_semaphore, #tpu.memory_space<semaphore_mem>>
      %dma_start3A_62 = arith.constant 0 : i32
      %dma_start3A_63 = tpu.memref_slice %arg2[%add3A_21, %dma_start3A_62] : memref<4096x200xi32, #tpu.memory_space<hbm>> -> memref<1x200xi32, #tpu.memory_space<hbm>>
      %dma_start3A_64 = tpu.memref_squeeze %dma_start3A_63 : memref<1x200xi32, #tpu.memory_space<hbm>> -> memref<200xi32, #tpu.memory_space<hbm>>
      %dma_start3A_65 = arith.constant 0 : i32
      %dma_start3A_66 = tpu.memref_slice %arg2[%add3A_21, %dma_start3A_65] : memref<4096x200xi32, #tpu.memory_space<hbm>> -> memref<1x200xi32, #tpu.memory_space<hbm>>
      %dma_start3A_67 = tpu.memref_squeeze %dma_start3A_66 : memref<1x200xi32, #tpu.memory_space<hbm>> -> memref<200xi32, #tpu.memory_space<hbm>>
      tpu.enqueue_dma source(%dma_start3A_67 : memref<200xi32, #tpu.memory_space<hbm>>) target(%arg6 : memref<200xi32, #tpu.memory_space<vmem>>) target_semaphore(%run_scoped3A : memref<!tpu.dma_semaphore, #tpu.memory_space<semaphore_mem>>)
      %dma_wait3A_68 = arith.constant 0 : i32
      %dma_wait3A_69 = tpu.memref_slice %arg2[%add3A_21, %dma_wait3A_68] : memref<4096x200xi32, #tpu.memory_space<hbm>> -> memref<1x200xi32, #tpu.memory_space<hbm>>
      %dma_wait3A_70 = tpu.memref_squeeze %dma_wait3A_69 : memref<1x200xi32, #tpu.memory_space<hbm>> -> memref<200xi32, #tpu.memory_space<hbm>>
      %dma_wait3A_71 = arith.constant 0 : i32
      %dma_wait3A_72 = tpu.memref_slice %arg2[%add3A_21, %dma_wait3A_71] : memref<4096x200xi32, #tpu.memory_space<hbm>> -> memref<1x200xi32, #tpu.memory_space<hbm>>
      %dma_wait3A_73 = tpu.memref_squeeze %dma_wait3A_72 : memref<1x200xi32, #tpu.memory_space<hbm>> -> memref<200xi32, #tpu.memory_space<hbm>>
      tpu.wait_dma2 semaphore(%run_scoped3A : memref<!tpu.dma_semaphore, #tpu.memory_space<semaphore_mem>>) src(%dma_wait3A_73 : memref<200xi32, #tpu.memory_space<hbm>>) dst(%arg6 : memref<200xi32, #tpu.memory_space<vmem>>)
      tpu.yield
    }) : () -> ()
    %dma_start3A_22 = arith.constant 0 : i32
    %dma_start3A_23 = arith.constant 0 : i32
    %dma_start3A_24 = tpu.memref_slice %arg8[%dma_start3A_22, %dma_start3A_23] : memref<200x128xf32, #tpu.memory_space<vmem>> -> memref<104x128xf32, #tpu.memory_space<vmem>>
    %dma_start3A_25 = arith.constant 0 : i32
    %dma_start3A_26 = tpu.memref_slice %arg6[%dma_start3A_25] : memref<200xi32, #tpu.memory_space<vmem>> -> memref<104xi32, #tpu.memory_space<vmem>>
    %dma_start3A_27 = arith.constant 0 : i32
    %dma_start3A_28 = arith.constant 0 : i32
    %dma_start3A_29 = tpu.memref_slice %arg3[%dma_start3A_27, %dma_start3A_28] : memref<1000000x128xf32, #tpu.memory_space<hbm>> -> memref<1000000x128xf32, #tpu.memory_space<hbm>>
    tpu.enqueue_indirect_dma source(%dma_start3A_29 : memref<1000000x128xf32, #tpu.memory_space<hbm>>) target(%dma_start3A_24 : memref<104x128xf32, #tpu.memory_space<vmem>>) offsets(%dma_start3A_26 : memref<104xi32, #tpu.memory_space<vmem>>) semaphore(%arg11 : memref<!tpu.dma_semaphore, #tpu.memory_space<semaphore_mem>>)
    %dma_start3A_30 = arith.constant 104 : i32
    %dma_start3A_31 = arith.constant 0 : i32
    %dma_start3A_32 = tpu.memref_slice %arg8[%dma_start3A_30, %dma_start3A_31] : memref<200x128xf32, #tpu.memory_space<vmem>> -> memref<96x128xf32, #tpu.memory_space<vmem>>
    %dma_start3A_33 = arith.constant 104 : i32
    %dma_start3A_34 = tpu.memref_slice %arg6[%dma_start3A_33] : memref<200xi32, #tpu.memory_space<vmem>> -> memref<96xi32, #tpu.memory_space<vmem>>
    %dma_start3A_35 = arith.constant 0 : i32
    %dma_start3A_36 = arith.constant 0 : i32
    %dma_start3A_37 = tpu.memref_slice %arg3[%dma_start3A_35, %dma_start3A_36] : memref<1000000x128xf32, #tpu.memory_space<hbm>> -> memref<1000000x128xf32, #tpu.memory_space<hbm>>
    tpu.enqueue_indirect_dma source(%dma_start3A_37 : memref<1000000x128xf32, #tpu.memory_space<hbm>>) target(%dma_start3A_32 : memref<96x128xf32, #tpu.memory_space<vmem>>) offsets(%dma_start3A_34 : memref<96xi32, #tpu.memory_space<vmem>>) semaphore(%arg11 : memref<!tpu.dma_semaphore, #tpu.memory_space<semaphore_mem>>)
    %scan3A = arith.constant 0 : i32
    %scan3A_38 = arith.constant 0 : i32
    %scan3A_39 = arith.constant 64 : i32
    %scan3A_40 = arith.addi %scan3A_38, %scan3A_39 : i32
    %scan3A_41 = arith.constant 1 : i32
    scf.for %scan3A_62 = %scan3A_38 to %scan3A_40 step %scan3A_41  : i32 {
      %mul3A_63 = arith.constant 2 : i32
      %mul3A_64 = arith.muli %scan3A_62, %mul3A_63 : i32
      %add3A_65 = arith.constant 0 : i32
      %add3A_66 = arith.addi %mul3A_64, %add3A_65 : i32
      %gt3A = arith.constant 0 : i32
      %gt3A_67 = arith.cmpi sgt, %scan3A_62, %gt3A : i32
      %convert_element_type3A = arith.extui %gt3A_67 : i1 to i32
      %cond3A = arith.constant 0 : i32
      %cond3A_68 = arith.cmpi ne, %convert_element_type3A, %cond3A : i32
      scf.if %cond3A_68 {
        %sub3A = arith.constant 2 : i32
        %sub3A_153 = arith.subi %add3A_66, %sub3A : i32
        %add3A_154 = arith.addi %mul3A_2, %sub3A_153 : i32
        %dma_wait3A_155 = arith.constant 0 : i32
        %dma_wait3A_156 = arith.constant 0 : i32
        %dma_wait3A_157 = tpu.memref_slice %arg4[%add3A_154, %dma_wait3A_155, %dma_wait3A_156] : memref<4096x200x64xf32, #tpu.memory_space<hbm>> -> memref<1x200x64xf32, #tpu.memory_space<hbm>>
        %dma_wait3A_158 = tpu.memref_squeeze %dma_wait3A_157 : memref<1x200x64xf32, #tpu.memory_space<hbm>> -> memref<200x64xf32, #tpu.memory_space<hbm>>
        %dma_wait3A_159 = arith.constant 0 : i32
        %dma_wait3A_160 = arith.constant 0 : i32
        %dma_wait3A_161 = tpu.memref_slice %arg4[%add3A_154, %dma_wait3A_159, %dma_wait3A_160] : memref<4096x200x64xf32, #tpu.memory_space<hbm>> -> memref<1x200x64xf32, #tpu.memory_space<hbm>>
        %dma_wait3A_162 = tpu.memref_squeeze %dma_wait3A_161 : memref<1x200x64xf32, #tpu.memory_space<hbm>> -> memref<200x64xf32, #tpu.memory_space<hbm>>
        tpu.wait_dma2 semaphore(%arg12 : memref<!tpu.dma_semaphore, #tpu.memory_space<semaphore_mem>>) src(%arg9 : memref<200x64xf32, #tpu.memory_space<vmem>>) dst(%dma_wait3A_162 : memref<200x64xf32, #tpu.memory_space<hbm>>)
      } else {
      }
      %dma_wait3A_69 = arith.constant 0 : i32
      %dma_wait3A_70 = arith.constant 0 : i32
      %dma_wait3A_71 = tpu.memref_slice %arg7[%dma_wait3A_69, %dma_wait3A_70] : memref<200x128xf32, #tpu.memory_space<vmem>> -> memref<104x128xf32, #tpu.memory_space<vmem>>
      %dma_wait3A_72 = arith.constant 0 : i32
      %dma_wait3A_73 = tpu.memref_slice %arg5[%dma_wait3A_72] : memref<200xi32, #tpu.memory_space<vmem>> -> memref<104xi32, #tpu.memory_space<vmem>>
      %dma_wait3A_74 = arith.constant 0 : i32
      %dma_wait3A_75 = arith.constant 0 : i32
      %dma_wait3A_76 = tpu.memref_slice %arg3[%dma_wait3A_74, %dma_wait3A_75] : memref<1000000x128xf32, #tpu.memory_space<hbm>> -> memref<1000000x128xf32, #tpu.memory_space<hbm>>
      tpu.wait_indirect_dma semaphore(%arg11 : memref<!tpu.dma_semaphore, #tpu.memory_space<semaphore_mem>>) src(%dma_wait3A_76 : memref<1000000x128xf32, #tpu.memory_space<hbm>>) dst(%dma_wait3A_71 : memref<104x128xf32, #tpu.memory_space<vmem>>)
      %dma_wait3A_77 = arith.constant 104 : i32
      %dma_wait3A_78 = arith.constant 0 : i32
      %dma_wait3A_79 = tpu.memref_slice %arg7[%dma_wait3A_77, %dma_wait3A_78] : memref<200x128xf32, #tpu.memory_space<vmem>> -> memref<96x128xf32, #tpu.memory_space<vmem>>
      %dma_wait3A_80 = arith.constant 104 : i32
      %dma_wait3A_81 = tpu.memref_slice %arg5[%dma_wait3A_80] : memref<200xi32, #tpu.memory_space<vmem>> -> memref<96xi32, #tpu.memory_space<vmem>>
      %dma_wait3A_82 = arith.constant 0 : i32
      %dma_wait3A_83 = arith.constant 0 : i32
      %dma_wait3A_84 = tpu.memref_slice %arg3[%dma_wait3A_82, %dma_wait3A_83] : memref<1000000x128xf32, #tpu.memory_space<hbm>> -> memref<1000000x128xf32, #tpu.memory_space<hbm>>
      tpu.wait_indirect_dma semaphore(%arg11 : memref<!tpu.dma_semaphore, #tpu.memory_space<semaphore_mem>>) src(%dma_wait3A_84 : memref<1000000x128xf32, #tpu.memory_space<hbm>>) dst(%dma_wait3A_79 : memref<96x128xf32, #tpu.memory_space<vmem>>)
      %scan3A_85 = arith.constant 0 : i32
      %scan3A_86 = arith.constant 0 : i32
      %scan3A_87 = arith.constant 100 : i32
      %scan3A_88 = arith.addi %scan3A_86, %scan3A_87 : i32
      %scan3A_89 = arith.constant 1 : i32
      scf.for %scan3A_153 = %scan3A_86 to %scan3A_88 step %scan3A_89  : i32 {
        %mul3A_154 = arith.constant 2 : i32
        %mul3A_155 = arith.muli %scan3A_153, %mul3A_154 : i32
        %add3A_156 = arith.constant 0 : i32
        %add3A_157 = arith.addi %mul3A_155, %add3A_156 : i32
        %get3A = arith.index_cast %add3A_157 : i32 to index
        %get3A_158 = arith.constant 0 : index
        %get3A_159 = tpu.vector_load %arg7[%get3A, %get3A_158] {strides = array<i32>} : memref<200x128xf32, #tpu.memory_space<vmem>>, vector<16xf32>,
        %swap3A = arith.index_cast %add3A_157 : i32 to index
        %swap3A_160 = arith.constant 0 : index
        %swap3A_161 = tpu.vector_load %arg9[%swap3A, %swap3A_160] {strides = array<i32>} : memref<200x64xf32, #tpu.memory_space<vmem>>, vector<16xf32>,
        tpu.vector_store %arg9[%swap3A, %swap3A_160], %get3A_159 {strides = array<i32>} : memref<200x64xf32, #tpu.memory_space<vmem>>, vector<16xf32>,
        %get3A_162 = arith.index_cast %add3A_157 : i32 to index
        %get3A_163 = arith.constant 16 : index
        %get3A_164 = tpu.vector_load %arg7[%get3A_162, %get3A_163] {strides = array<i32>} : memref<200x128xf32, #tpu.memory_space<vmem>>, vector<16xf32>,
        %swap3A_165 = arith.index_cast %add3A_157 : i32 to index
        %swap3A_166 = arith.constant 16 : index
        %swap3A_167 = tpu.vector_load %arg9[%swap3A_165, %swap3A_166] {strides = array<i32>} : memref<200x64xf32, #tpu.memory_space<vmem>>, vector<16xf32>,
        tpu.vector_store %arg9[%swap3A_165, %swap3A_166], %get3A_164 {strides = array<i32>} : memref<200x64xf32, #tpu.memory_space<vmem>>, vector<16xf32>,
        %get3A_168 = arith.index_cast %add3A_157 : i32 to index
        %get3A_169 = arith.constant 32 : index
        %get3A_170 = tpu.vector_load %arg7[%get3A_168, %get3A_169] {strides = array<i32>} : memref<200x128xf32, #tpu.memory_space<vmem>>, vector<16xf32>,
        %swap3A_171 = arith.index_cast %add3A_157 : i32 to index
        %swap3A_172 = arith.constant 32 : index
        %swap3A_173 = tpu.vector_load %arg9[%swap3A_171, %swap3A_172] {strides = array<i32>} : memref<200x64xf32, #tpu.memory_space<vmem>>, vector<16xf32>,
        tpu.vector_store %arg9[%swap3A_171, %swap3A_172], %get3A_170 {strides = array<i32>} : memref<200x64xf32, #tpu.memory_space<vmem>>, vector<16xf32>,
        %get3A_174 = arith.index_cast %add3A_157 : i32 to index
        %get3A_175 = arith.constant 48 : index
        %get3A_176 = tpu.vector_load %arg7[%get3A_174, %get3A_175] {strides = array<i32>} : memref<200x128xf32, #tpu.memory_space<vmem>>, vector<16xf32>,
        %swap3A_177 = arith.index_cast %add3A_157 : i32 to index
        %swap3A_178 = arith.constant 48 : index
        %swap3A_179 = tpu.vector_load %arg9[%swap3A_177, %swap3A_178] {strides = array<i32>} : memref<200x64xf32, #tpu.memory_space<vmem>>, vector<16xf32>,
        tpu.vector_store %arg9[%swap3A_177, %swap3A_178], %get3A_176 {strides = array<i32>} : memref<200x64xf32, #tpu.memory_space<vmem>>, vector<16xf32>,
        %mul3A_180 = arith.constant 2 : i32
        %mul3A_181 = arith.muli %scan3A_153, %mul3A_180 : i32
        %add3A_182 = arith.constant 1 : i32
        %add3A_183 = arith.addi %mul3A_181, %add3A_182 : i32
        %get3A_184 = arith.index_cast %add3A_183 : i32 to index
        %get3A_185 = arith.constant 0 : index
        %get3A_186 = tpu.vector_load %arg7[%get3A_184, %get3A_185] {strides = array<i32>} : memref<200x128xf32, #tpu.memory_space<vmem>>, vector<16xf32>,
        %swap3A_187 = arith.index_cast %add3A_183 : i32 to index
        %swap3A_188 = arith.constant 0 : index
        %swap3A_189 = tpu.vector_load %arg9[%swap3A_187, %swap3A_188] {strides = array<i32>} : memref<200x64xf32, #tpu.memory_space<vmem>>, vector<16xf32>,
        tpu.vector_store %arg9[%swap3A_187, %swap3A_188], %get3A_186 {strides = array<i32>} : memref<200x64xf32, #tpu.memory_space<vmem>>, vector<16xf32>,
        %get3A_190 = arith.index_cast %add3A_183 : i32 to index
        %get3A_191 = arith.constant 16 : index
        %get3A_192 = tpu.vector_load %arg7[%get3A_190, %get3A_191] {strides = array<i32>} : memref<200x128xf32, #tpu.memory_space<vmem>>, vector<16xf32>,
        %swap3A_193 = arith.index_cast %add3A_183 : i32 to index
        %swap3A_194 = arith.constant 16 : index
        %swap3A_195 = tpu.vector_load %arg9[%swap3A_193, %swap3A_194] {strides = array<i32>} : memref<200x64xf32, #tpu.memory_space<vmem>>, vector<16xf32>,
        tpu.vector_store %arg9[%swap3A_193, %swap3A_194], %get3A_192 {strides = array<i32>} : memref<200x64xf32, #tpu.memory_space<vmem>>, vector<16xf32>,
        %get3A_196 = arith.index_cast %add3A_183 : i32 to index
        %get3A_197 = arith.constant 32 : index
        %get3A_198 = tpu.vector_load %arg7[%get3A_196, %get3A_197] {strides = array<i32>} : memref<200x128xf32, #tpu.memory_space<vmem>>, vector<16xf32>,
        %swap3A_199 = arith.index_cast %add3A_183 : i32 to index
        %swap3A_200 = arith.constant 32 : index
        %swap3A_201 = tpu.vector_load %arg9[%swap3A_199, %swap3A_200] {strides = array<i32>} : memref<200x64xf32, #tpu.memory_space<vmem>>, vector<16xf32>,
        tpu.vector_store %arg9[%swap3A_199, %swap3A_200], %get3A_198 {strides = array<i32>} : memref<200x64xf32, #tpu.memory_space<vmem>>, vector<16xf32>,
        %get3A_202 = arith.index_cast %add3A_183 : i32 to index
        %get3A_203 = arith.constant 48 : index
        %get3A_204 = tpu.vector_load %arg7[%get3A_202, %get3A_203] {strides = array<i32>} : memref<200x128xf32, #tpu.memory_space<vmem>>, vector<16xf32>,
        %swap3A_205 = arith.index_cast %add3A_183 : i32 to index
        %swap3A_206 = arith.constant 48 : index
        %swap3A_207 = tpu.vector_load %arg9[%swap3A_205, %swap3A_206] {strides = array<i32>} : memref<200x64xf32, #tpu.memory_space<vmem>>, vector<16xf32>,
        tpu.vector_store %arg9[%swap3A_205, %swap3A_206], %get3A_204 {strides = array<i32>} : memref<200x64xf32, #tpu.memory_space<vmem>>, vector<16xf32>,
      }
      %scan3A_90 = arith.constant 100 : i32
      %add3A_91 = arith.addi %mul3A_2, %add3A_66 : i32
      %dma_start3A_92 = arith.constant 0 : i32
      %dma_start3A_93 = arith.constant 0 : i32
      %dma_start3A_94 = tpu.memref_slice %arg4[%add3A_91, %dma_start3A_92, %dma_start3A_93] : memref<4096x200x64xf32, #tpu.memory_space<hbm>> -> memref<1x200x64xf32, #tpu.memory_space<hbm>>
      %dma_start3A_95 = tpu.memref_squeeze %dma_start3A_94 : memref<1x200x64xf32, #tpu.memory_space<hbm>> -> memref<200x64xf32, #tpu.memory_space<hbm>>
      %dma_start3A_96 = arith.constant 0 : i32
      %dma_start3A_97 = arith.constant 0 : i32
      %dma_start3A_98 = tpu.memref_slice %arg4[%add3A_91, %dma_start3A_96, %dma_start3A_97] : memref<4096x200x64xf32, #tpu.memory_space<hbm>> -> memref<1x200x64xf32, #tpu.memory_space<hbm>>
      %dma_start3A_99 = tpu.memref_squeeze %dma_start3A_98 : memref<1x200x64xf32, #tpu.memory_space<hbm>> -> memref<200x64xf32, #tpu.memory_space<hbm>>
      tpu.enqueue_dma source(%arg9 : memref<200x64xf32, #tpu.memory_space<vmem>>) target(%dma_start3A_99 : memref<200x64xf32, #tpu.memory_space<hbm>>) target_semaphore(%arg12 : memref<!tpu.dma_semaphore, #tpu.memory_space<semaphore_mem>>)
      %add3A_100 = arith.constant 2 : i32
      %add3A_101 = arith.addi %add3A_66, %add3A_100 : i32
      %lt3A = arith.constant 128 : i32
      %lt3A_102 = arith.cmpi slt, %add3A_101, %lt3A : i32
      %convert_element_type3A_103 = arith.extui %lt3A_102 : i1 to i32
      %cond3A_104 = arith.constant 0 : i32
      %cond3A_105 = arith.cmpi ne, %convert_element_type3A_103, %cond3A_104 : i32
      scf.if %cond3A_105 {
        %add3A_153 = arith.constant 2 : i32
        %add3A_154 = arith.addi %add3A_66, %add3A_153 : i32
        %add3A_155 = arith.addi %mul3A_2, %add3A_154 : i32
        "tpu.region"() ({
          %run_scoped3A = tpu.sem_alloc : memref<!tpu.dma_semaphore, #tpu.memory_space<semaphore_mem>>
          %dma_start3A_172 = arith.constant 0 : i32
          %dma_start3A_173 = tpu.memref_slice %arg2[%add3A_155, %dma_start3A_172] : memref<4096x200xi32, #tpu.memory_space<hbm>> -> memref<1x200xi32, #tpu.memory_space<hbm>>
          %dma_start3A_174 = tpu.memref_squeeze %dma_start3A_173 : memref<1x200xi32, #tpu.memory_space<hbm>> -> memref<200xi32, #tpu.memory_space<hbm>>
          %dma_start3A_175 = arith.constant 0 : i32
          %dma_start3A_176 = tpu.memref_slice %arg2[%add3A_155, %dma_start3A_175] : memref<4096x200xi32, #tpu.memory_space<hbm>> -> memref<1x200xi32, #tpu.memory_space<hbm>>
          %dma_start3A_177 = tpu.memref_squeeze %dma_start3A_176 : memref<1x200xi32, #tpu.memory_space<hbm>> -> memref<200xi32, #tpu.memory_space<hbm>>
          tpu.enqueue_dma source(%dma_start3A_177 : memref<200xi32, #tpu.memory_space<hbm>>) target(%arg5 : memref<200xi32, #tpu.memory_space<vmem>>) target_semaphore(%run_scoped3A : memref<!tpu.dma_semaphore, #tpu.memory_space<semaphore_mem>>)
          %dma_wait3A_178 = arith.constant 0 : i32
          %dma_wait3A_179 = tpu.memref_slice %arg2[%add3A_155, %dma_wait3A_178] : memref<4096x200xi32, #tpu.memory_space<hbm>> -> memref<1x200xi32, #tpu.memory_space<hbm>>
          %dma_wait3A_180 = tpu.memref_squeeze %dma_wait3A_179 : memref<1x200xi32, #tpu.memory_space<hbm>> -> memref<200xi32, #tpu.memory_space<hbm>>
          %dma_wait3A_181 = arith.constant 0 : i32
          %dma_wait3A_182 = tpu.memref_slice %arg2[%add3A_155, %dma_wait3A_181] : memref<4096x200xi32, #tpu.memory_space<hbm>> -> memref<1x200xi32, #tpu.memory_space<hbm>>
          %dma_wait3A_183 = tpu.memref_squeeze %dma_wait3A_182 : memref<1x200xi32, #tpu.memory_space<hbm>> -> memref<200xi32, #tpu.memory_space<hbm>>
          tpu.wait_dma2 semaphore(%run_scoped3A : memref<!tpu.dma_semaphore, #tpu.memory_space<semaphore_mem>>) src(%dma_wait3A_183 : memref<200xi32, #tpu.memory_space<hbm>>) dst(%arg5 : memref<200xi32, #tpu.memory_space<vmem>>)
          tpu.yield
        }) : () -> ()
        %dma_start3A_156 = arith.constant 0 : i32
        %dma_start3A_157 = arith.constant 0 : i32
        %dma_start3A_158 = tpu.memref_slice %arg7[%dma_start3A_156, %dma_start3A_157] : memref<200x128xf32, #tpu.memory_space<vmem>> -> memref<104x128xf32, #tpu.memory_space<vmem>>
        %dma_start3A_159 = arith.constant 0 : i32
        %dma_start3A_160 = tpu.memref_slice %arg5[%dma_start3A_159] : memref<200xi32, #tpu.memory_space<vmem>> -> memref<104xi32, #tpu.memory_space<vmem>>
        %dma_start3A_161 = arith.constant 0 : i32
        %dma_start3A_162 = arith.constant 0 : i32
        %dma_start3A_163 = tpu.memref_slice %arg3[%dma_start3A_161, %dma_start3A_162] : memref<1000000x128xf32, #tpu.memory_space<hbm>> -> memref<1000000x128xf32, #tpu.memory_space<hbm>>
        tpu.enqueue_indirect_dma source(%dma_start3A_163 : memref<1000000x128xf32, #tpu.memory_space<hbm>>) target(%dma_start3A_158 : memref<104x128xf32, #tpu.memory_space<vmem>>) offsets(%dma_start3A_160 : memref<104xi32, #tpu.memory_space<vmem>>) semaphore(%arg11 : memref<!tpu.dma_semaphore, #tpu.memory_space<semaphore_mem>>)
        %dma_start3A_164 = arith.constant 104 : i32
        %dma_start3A_165 = arith.constant 0 : i32
        %dma_start3A_166 = tpu.memref_slice %arg7[%dma_start3A_164, %dma_start3A_165] : memref<200x128xf32, #tpu.memory_space<vmem>> -> memref<96x128xf32, #tpu.memory_space<vmem>>
        %dma_start3A_167 = arith.constant 104 : i32
        %dma_start3A_168 = tpu.memref_slice %arg5[%dma_start3A_167] : memref<200xi32, #tpu.memory_space<vmem>> -> memref<96xi32, #tpu.memory_space<vmem>>
        %dma_start3A_169 = arith.constant 0 : i32
        %dma_start3A_170 = arith.constant 0 : i32
        %dma_start3A_171 = tpu.memref_slice %arg3[%dma_start3A_169, %dma_start3A_170] : memref<1000000x128xf32, #tpu.memory_space<hbm>> -> memref<1000000x128xf32, #tpu.memory_space<hbm>>
        tpu.enqueue_indirect_dma source(%dma_start3A_171 : memref<1000000x128xf32, #tpu.memory_space<hbm>>) target(%dma_start3A_166 : memref<96x128xf32, #tpu.memory_space<vmem>>) offsets(%dma_start3A_168 : memref<96xi32, #tpu.memory_space<vmem>>) semaphore(%arg11 : memref<!tpu.dma_semaphore, #tpu.memory_space<semaphore_mem>>)
      } else {
      }
      %mul3A_106 = arith.constant 2 : i32
      %mul3A_107 = arith.muli %scan3A_62, %mul3A_106 : i32
      %add3A_108 = arith.constant 1 : i32
      %add3A_109 = arith.addi %mul3A_107, %add3A_108 : i32
      %gt3A_110 = arith.constant 0 : i32
      %gt3A_111 = arith.cmpi sgt, %scan3A_62, %gt3A_110 : i32
      %convert_element_type3A_112 = arith.extui %gt3A_111 : i1 to i32
      %cond3A_113 = arith.constant 0 : i32
      %cond3A_114 = arith.cmpi ne, %convert_element_type3A_112, %cond3A_113 : i32
      scf.if %cond3A_114 {
        %sub3A = arith.constant 2 : i32
        %sub3A_153 = arith.subi %add3A_109, %sub3A : i32
        %add3A_154 = arith.addi %mul3A_2, %sub3A_153 : i32
        %dma_wait3A_155 = arith.constant 0 : i32
        %dma_wait3A_156 = arith.constant 0 : i32
        %dma_wait3A_157 = tpu.memref_slice %arg4[%add3A_154, %dma_wait3A_155, %dma_wait3A_156] : memref<4096x200x64xf32, #tpu.memory_space<hbm>> -> memref<1x200x64xf32, #tpu.memory_space<hbm>>
        %dma_wait3A_158 = tpu.memref_squeeze %dma_wait3A_157 : memref<1x200x64xf32, #tpu.memory_space<hbm>> -> memref<200x64xf32, #tpu.memory_space<hbm>>
        %dma_wait3A_159 = arith.constant 0 : i32
        %dma_wait3A_160 = arith.constant 0 : i32
        %dma_wait3A_161 = tpu.memref_slice %arg4[%add3A_154, %dma_wait3A_159, %dma_wait3A_160] : memref<4096x200x64xf32, #tpu.memory_space<hbm>> -> memref<1x200x64xf32, #tpu.memory_space<hbm>>
        %dma_wait3A_162 = tpu.memref_squeeze %dma_wait3A_161 : memref<1x200x64xf32, #tpu.memory_space<hbm>> -> memref<200x64xf32, #tpu.memory_space<hbm>>
        tpu.wait_dma2 semaphore(%arg12 : memref<!tpu.dma_semaphore, #tpu.memory_space<semaphore_mem>>) src(%arg10 : memref<200x64xf32, #tpu.memory_space<vmem>>) dst(%dma_wait3A_162 : memref<200x64xf32, #tpu.memory_space<hbm>>)
      } else {
      }
      %dma_wait3A_115 = arith.constant 0 : i32
      %dma_wait3A_116 = arith.constant 0 : i32
      %dma_wait3A_117 = tpu.memref_slice %arg8[%dma_wait3A_115, %dma_wait3A_116] : memref<200x128xf32, #tpu.memory_space<vmem>> -> memref<104x128xf32, #tpu.memory_space<vmem>>
      %dma_wait3A_118 = arith.constant 0 : i32
      %dma_wait3A_119 = tpu.memref_slice %arg6[%dma_wait3A_118] : memref<200xi32, #tpu.memory_space<vmem>> -> memref<104xi32, #tpu.memory_space<vmem>>
      %dma_wait3A_120 = arith.constant 0 : i32
      %dma_wait3A_121 = arith.constant 0 : i32
      %dma_wait3A_122 = tpu.memref_slice %arg3[%dma_wait3A_120, %dma_wait3A_121] : memref<1000000x128xf32, #tpu.memory_space<hbm>> -> memref<1000000x128xf32, #tpu.memory_space<hbm>>
      tpu.wait_indirect_dma semaphore(%arg11 : memref<!tpu.dma_semaphore, #tpu.memory_space<semaphore_mem>>) src(%dma_wait3A_122 : memref<1000000x128xf32, #tpu.memory_space<hbm>>) dst(%dma_wait3A_117 : memref<104x128xf32, #tpu.memory_space<vmem>>)
      %dma_wait3A_123 = arith.constant 104 : i32
      %dma_wait3A_124 = arith.constant 0 : i32
      %dma_wait3A_125 = tpu.memref_slice %arg8[%dma_wait3A_123, %dma_wait3A_124] : memref<200x128xf32, #tpu.memory_space<vmem>> -> memref<96x128xf32, #tpu.memory_space<vmem>>
      %dma_wait3A_126 = arith.constant 104 : i32
      %dma_wait3A_127 = tpu.memref_slice %arg6[%dma_wait3A_126] : memref<200xi32, #tpu.memory_space<vmem>> -> memref<96xi32, #tpu.memory_space<vmem>>
      %dma_wait3A_128 = arith.constant 0 : i32
      %dma_wait3A_129 = arith.constant 0 : i32
      %dma_wait3A_130 = tpu.memref_slice %arg3[%dma_wait3A_128, %dma_wait3A_129] : memref<1000000x128xf32, #tpu.memory_space<hbm>> -> memref<1000000x128xf32, #tpu.memory_space<hbm>>
      tpu.wait_indirect_dma semaphore(%arg11 : memref<!tpu.dma_semaphore, #tpu.memory_space<semaphore_mem>>) src(%dma_wait3A_130 : memref<1000000x128xf32, #tpu.memory_space<hbm>>) dst(%dma_wait3A_125 : memref<96x128xf32, #tpu.memory_space<vmem>>)
      %scan3A_131 = arith.constant 0 : i32
      %scan3A_132 = arith.constant 0 : i32
      %scan3A_133 = arith.constant 100 : i32
      %scan3A_134 = arith.addi %scan3A_132, %scan3A_133 : i32
      %scan3A_135 = arith.constant 1 : i32
      scf.for %scan3A_153 = %scan3A_132 to %scan3A_134 step %scan3A_135  : i32 {
        %mul3A_154 = arith.constant 2 : i32
        %mul3A_155 = arith.muli %scan3A_153, %mul3A_154 : i32
        %add3A_156 = arith.constant 0 : i32
        %add3A_157 = arith.addi %mul3A_155, %add3A_156 : i32
        %get3A = arith.index_cast %add3A_157 : i32 to index
        %get3A_158 = arith.constant 0 : index
        %get3A_159 = tpu.vector_load %arg8[%get3A, %get3A_158] {strides = array<i32>} : memref<200x128xf32, #tpu.memory_space<vmem>>, vector<16xf32>,
        %swap3A = arith.index_cast %add3A_157 : i32 to index
        %swap3A_160 = arith.constant 0 : index
        %swap3A_161 = tpu.vector_load %arg10[%swap3A, %swap3A_160] {strides = array<i32>} : memref<200x64xf32, #tpu.memory_space<vmem>>, vector<16xf32>,
        tpu.vector_store %arg10[%swap3A, %swap3A_160], %get3A_159 {strides = array<i32>} : memref<200x64xf32, #tpu.memory_space<vmem>>, vector<16xf32>,
        %get3A_162 = arith.index_cast %add3A_157 : i32 to index
        %get3A_163 = arith.constant 16 : index
        %get3A_164 = tpu.vector_load %arg8[%get3A_162, %get3A_163] {strides = array<i32>} : memref<200x128xf32, #tpu.memory_space<vmem>>, vector<16xf32>,
        %swap3A_165 = arith.index_cast %add3A_157 : i32 to index
        %swap3A_166 = arith.constant 16 : index
        %swap3A_167 = tpu.vector_load %arg10[%swap3A_165, %swap3A_166] {strides = array<i32>} : memref<200x64xf32, #tpu.memory_space<vmem>>, vector<16xf32>,
        tpu.vector_store %arg10[%swap3A_165, %swap3A_166], %get3A_164 {strides = array<i32>} : memref<200x64xf32, #tpu.memory_space<vmem>>, vector<16xf32>,
        %get3A_168 = arith.index_cast %add3A_157 : i32 to index
        %get3A_169 = arith.constant 32 : index
        %get3A_170 = tpu.vector_load %arg8[%get3A_168, %get3A_169] {strides = array<i32>} : memref<200x128xf32, #tpu.memory_space<vmem>>, vector<16xf32>,
        %swap3A_171 = arith.index_cast %add3A_157 : i32 to index
        %swap3A_172 = arith.constant 32 : index
        %swap3A_173 = tpu.vector_load %arg10[%swap3A_171, %swap3A_172] {strides = array<i32>} : memref<200x64xf32, #tpu.memory_space<vmem>>, vector<16xf32>,
        tpu.vector_store %arg10[%swap3A_171, %swap3A_172], %get3A_170 {strides = array<i32>} : memref<200x64xf32, #tpu.memory_space<vmem>>, vector<16xf32>,
        %get3A_174 = arith.index_cast %add3A_157 : i32 to index
        %get3A_175 = arith.constant 48 : index
        %get3A_176 = tpu.vector_load %arg8[%get3A_174, %get3A_175] {strides = array<i32>} : memref<200x128xf32, #tpu.memory_space<vmem>>, vector<16xf32>,
        %swap3A_177 = arith.index_cast %add3A_157 : i32 to index
        %swap3A_178 = arith.constant 48 : index
        %swap3A_179 = tpu.vector_load %arg10[%swap3A_177, %swap3A_178] {strides = array<i32>} : memref<200x64xf32, #tpu.memory_space<vmem>>, vector<16xf32>,
        tpu.vector_store %arg10[%swap3A_177, %swap3A_178], %get3A_176 {strides = array<i32>} : memref<200x64xf32, #tpu.memory_space<vmem>>, vector<16xf32>,
        %mul3A_180 = arith.constant 2 : i32
        %mul3A_181 = arith.muli %scan3A_153, %mul3A_180 : i32
        %add3A_182 = arith.constant 1 : i32
        %add3A_183 = arith.addi %mul3A_181, %add3A_182 : i32
        %get3A_184 = arith.index_cast %add3A_183 : i32 to index
        %get3A_185 = arith.constant 0 : index
        %get3A_186 = tpu.vector_load %arg8[%get3A_184, %get3A_185] {strides = array<i32>} : memref<200x128xf32, #tpu.memory_space<vmem>>, vector<16xf32>,
        %swap3A_187 = arith.index_cast %add3A_183 : i32 to index
        %swap3A_188 = arith.constant 0 : index
        %swap3A_189 = tpu.vector_load %arg10[%swap3A_187, %swap3A_188] {strides = array<i32>} : memref<200x64xf32, #tpu.memory_space<vmem>>, vector<16xf32>,
        tpu.vector_store %arg10[%swap3A_187, %swap3A_188], %get3A_186 {strides = array<i32>} : memref<200x64xf32, #tpu.memory_space<vmem>>, vector<16xf32>,
        %get3A_190 = arith.index_cast %add3A_183 : i32 to index
        %get3A_191 = arith.constant 16 : index
        %get3A_192 = tpu.vector_load %arg8[%get3A_190, %get3A_191] {strides = array<i32>} : memref<200x128xf32, #tpu.memory_space<vmem>>, vector<16xf32>,
        %swap3A_193 = arith.index_cast %add3A_183 : i32 to index
        %swap3A_194 = arith.constant 16 : index
        %swap3A_195 = tpu.vector_load %arg10[%swap3A_193, %swap3A_194] {strides = array<i32>} : memref<200x64xf32, #tpu.memory_space<vmem>>, vector<16xf32>,
        tpu.vector_store %arg10[%swap3A_193, %swap3A_194], %get3A_192 {strides = array<i32>} : memref<200x64xf32, #tpu.memory_space<vmem>>, vector<16xf32>,
        %get3A_196 = arith.index_cast %add3A_183 : i32 to index
        %get3A_197 = arith.constant 32 : index
        %get3A_198 = tpu.vector_load %arg8[%get3A_196, %get3A_197] {strides = array<i32>} : memref<200x128xf32, #tpu.memory_space<vmem>>, vector<16xf32>,
        %swap3A_199 = arith.index_cast %add3A_183 : i32 to index
        %swap3A_200 = arith.constant 32 : index
        %swap3A_201 = tpu.vector_load %arg10[%swap3A_199, %swap3A_200] {strides = array<i32>} : memref<200x64xf32, #tpu.memory_space<vmem>>, vector<16xf32>,
        tpu.vector_store %arg10[%swap3A_199, %swap3A_200], %get3A_198 {strides = array<i32>} : memref<200x64xf32, #tpu.memory_space<vmem>>, vector<16xf32>,
        %get3A_202 = arith.index_cast %add3A_183 : i32 to index
        %get3A_203 = arith.constant 48 : index
        %get3A_204 = tpu.vector_load %arg8[%get3A_202, %get3A_203] {strides = array<i32>} : memref<200x128xf32, #tpu.memory_space<vmem>>, vector<16xf32>,
        %swap3A_205 = arith.index_cast %add3A_183 : i32 to index
        %swap3A_206 = arith.constant 48 : index
        %swap3A_207 = tpu.vector_load %arg10[%swap3A_205, %swap3A_206] {strides = array<i32>} : memref<200x64xf32, #tpu.memory_space<vmem>>, vector<16xf32>,
        tpu.vector_store %arg10[%swap3A_205, %swap3A_206], %get3A_204 {strides = array<i32>} : memref<200x64xf32, #tpu.memory_space<vmem>>, vector<16xf32>,
      }
      %scan3A_136 = arith.constant 100 : i32
      %add3A_137 = arith.addi %mul3A_2, %add3A_109 : i32
      %dma_start3A_138 = arith.constant 0 : i32
      %dma_start3A_139 = arith.constant 0 : i32
      %dma_start3A_140 = tpu.memref_slice %arg4[%add3A_137, %dma_start3A_138, %dma_start3A_139] : memref<4096x200x64xf32, #tpu.memory_space<hbm>> -> memref<1x200x64xf32, #tpu.memory_space<hbm>>
      %dma_start3A_141 = tpu.memref_squeeze %dma_start3A_140 : memref<1x200x64xf32, #tpu.memory_space<hbm>> -> memref<200x64xf32, #tpu.memory_space<hbm>>
      %dma_start3A_142 = arith.constant 0 : i32
      %dma_start3A_143 = arith.constant 0 : i32
      %dma_start3A_144 = tpu.memref_slice %arg4[%add3A_137, %dma_start3A_142, %dma_start3A_143] : memref<4096x200x64xf32, #tpu.memory_space<hbm>> -> memref<1x200x64xf32, #tpu.memory_space<hbm>>
      %dma_start3A_145 = tpu.memref_squeeze %dma_start3A_144 : memref<1x200x64xf32, #tpu.memory_space<hbm>> -> memref<200x64xf32, #tpu.memory_space<hbm>>
      tpu.enqueue_dma source(%arg10 : memref<200x64xf32, #tpu.memory_space<vmem>>) target(%dma_start3A_145 : memref<200x64xf32, #tpu.memory_space<hbm>>) target_semaphore(%arg12 : memref<!tpu.dma_semaphore, #tpu.memory_space<semaphore_mem>>)
      %add3A_146 = arith.constant 2 : i32
      %add3A_147 = arith.addi %add3A_109, %add3A_146 : i32
      %lt3A_148 = arith.constant 128 : i32
      %lt3A_149 = arith.cmpi slt, %add3A_147, %lt3A_148 : i32
      %convert_element_type3A_150 = arith.extui %lt3A_149 : i1 to i32
      %cond3A_151 = arith.constant 0 : i32
      %cond3A_152 = arith.cmpi ne, %convert_element_type3A_150, %cond3A_151 : i32
      scf.if %cond3A_152 {
        %add3A_153 = arith.constant 2 : i32
        %add3A_154 = arith.addi %add3A_109, %add3A_153 : i32
        %add3A_155 = arith.addi %mul3A_2, %add3A_154 : i32
        "tpu.region"() ({
          %run_scoped3A = tpu.sem_alloc : memref<!tpu.dma_semaphore, #tpu.memory_space<semaphore_mem>>
          %dma_start3A_172 = arith.constant 0 : i32
          %dma_start3A_173 = tpu.memref_slice %arg2[%add3A_155, %dma_start3A_172] : memref<4096x200xi32, #tpu.memory_space<hbm>> -> memref<1x200xi32, #tpu.memory_space<hbm>>
          %dma_start3A_174 = tpu.memref_squeeze %dma_start3A_173 : memref<1x200xi32, #tpu.memory_space<hbm>> -> memref<200xi32, #tpu.memory_space<hbm>>
          %dma_start3A_175 = arith.constant 0 : i32
          %dma_start3A_176 = tpu.memref_slice %arg2[%add3A_155, %dma_start3A_175] : memref<4096x200xi32, #tpu.memory_space<hbm>> -> memref<1x200xi32, #tpu.memory_space<hbm>>
          %dma_start3A_177 = tpu.memref_squeeze %dma_start3A_176 : memref<1x200xi32, #tpu.memory_space<hbm>> -> memref<200xi32, #tpu.memory_space<hbm>>
          tpu.enqueue_dma source(%dma_start3A_177 : memref<200xi32, #tpu.memory_space<hbm>>) target(%arg6 : memref<200xi32, #tpu.memory_space<vmem>>) target_semaphore(%run_scoped3A : memref<!tpu.dma_semaphore, #tpu.memory_space<semaphore_mem>>)
          %dma_wait3A_178 = arith.constant 0 : i32
          %dma_wait3A_179 = tpu.memref_slice %arg2[%add3A_155, %dma_wait3A_178] : memref<4096x200xi32, #tpu.memory_space<hbm>> -> memref<1x200xi32, #tpu.memory_space<hbm>>
          %dma_wait3A_180 = tpu.memref_squeeze %dma_wait3A_179 : memref<1x200xi32, #tpu.memory_space<hbm>> -> memref<200xi32, #tpu.memory_space<hbm>>
          %dma_wait3A_181 = arith.constant 0 : i32
          %dma_wait3A_182 = tpu.memref_slice %arg2[%add3A_155, %dma_wait3A_181] : memref<4096x200xi32, #tpu.memory_space<hbm>> -> memref<1x200xi32, #tpu.memory_space<hbm>>
          %dma_wait3A_183 = tpu.memref_squeeze %dma_wait3A_182 : memref<1x200xi32, #tpu.memory_space<hbm>> -> memref<200xi32, #tpu.memory_space<hbm>>
          tpu.wait_dma2 semaphore(%run_scoped3A : memref<!tpu.dma_semaphore, #tpu.memory_space<semaphore_mem>>) src(%dma_wait3A_183 : memref<200xi32, #tpu.memory_space<hbm>>) dst(%arg6 : memref<200xi32, #tpu.memory_space<vmem>>)
          tpu.yield
        }) : () -> ()
        %dma_start3A_156 = arith.constant 0 : i32
        %dma_start3A_157 = arith.constant 0 : i32
        %dma_start3A_158 = tpu.memref_slice %arg8[%dma_start3A_156, %dma_start3A_157] : memref<200x128xf32, #tpu.memory_space<vmem>> -> memref<104x128xf32, #tpu.memory_space<vmem>>
        %dma_start3A_159 = arith.constant 0 : i32
        %dma_start3A_160 = tpu.memref_slice %arg6[%dma_start3A_159] : memref<200xi32, #tpu.memory_space<vmem>> -> memref<104xi32, #tpu.memory_space<vmem>>
        %dma_start3A_161 = arith.constant 0 : i32
        %dma_start3A_162 = arith.constant 0 : i32
        %dma_start3A_163 = tpu.memref_slice %arg3[%dma_start3A_161, %dma_start3A_162] : memref<1000000x128xf32, #tpu.memory_space<hbm>> -> memref<1000000x128xf32, #tpu.memory_space<hbm>>
        tpu.enqueue_indirect_dma source(%dma_start3A_163 : memref<1000000x128xf32, #tpu.memory_space<hbm>>) target(%dma_start3A_158 : memref<104x128xf32, #tpu.memory_space<vmem>>) offsets(%dma_start3A_160 : memref<104xi32, #tpu.memory_space<vmem>>) semaphore(%arg11 : memref<!tpu.dma_semaphore, #tpu.memory_space<semaphore_mem>>)
        %dma_start3A_164 = arith.constant 104 : i32
        %dma_start3A_165 = arith.constant 0 : i32
        %dma_start3A_166 = tpu.memref_slice %arg8[%dma_start3A_164, %dma_start3A_165] : memref<200x128xf32, #tpu.memory_space<vmem>> -> memref<96x128xf32, #tpu.memory_space<vmem>>
        %dma_start3A_167 = arith.constant 104 : i32
        %dma_start3A_168 = tpu.memref_slice %arg6[%dma_start3A_167] : memref<200xi32, #tpu.memory_space<vmem>> -> memref<96xi32, #tpu.memory_space<vmem>>
        %dma_start3A_169 = arith.constant 0 : i32
        %dma_start3A_170 = arith.constant 0 : i32
        %dma_start3A_171 = tpu.memref_slice %arg3[%dma_start3A_169, %dma_start3A_170] : memref<1000000x128xf32, #tpu.memory_space<hbm>> -> memref<1000000x128xf32, #tpu.memory_space<hbm>>
        tpu.enqueue_indirect_dma source(%dma_start3A_171 : memref<1000000x128xf32, #tpu.memory_space<hbm>>) target(%dma_start3A_166 : memref<96x128xf32, #tpu.memory_space<vmem>>) offsets(%dma_start3A_168 : memref<96xi32, #tpu.memory_space<vmem>>) semaphore(%arg11 : memref<!tpu.dma_semaphore, #tpu.memory_space<semaphore_mem>>)
      } else {
      }
    }
    %scan3A_42 = arith.constant 64 : i32
    %add3A_43 = arith.constant 126 : i32
    %add3A_44 = arith.addi %mul3A_2, %add3A_43 : i32
    %dma_wait3A = arith.constant 0 : i32
    %dma_wait3A_45 = arith.constant 0 : i32
    %dma_wait3A_46 = tpu.memref_slice %arg4[%add3A_44, %dma_wait3A, %dma_wait3A_45] : memref<4096x200x64xf32, #tpu.memory_space<hbm>> -> memref<1x200x64xf32, #tpu.memory_space<hbm>>
    %dma_wait3A_47 = tpu.memref_squeeze %dma_wait3A_46 : memref<1x200x64xf32, #tpu.memory_space<hbm>> -> memref<200x64xf32, #tpu.memory_space<hbm>>
    %dma_wait3A_48 = arith.constant 0 : i32
    %dma_wait3A_49 = arith.constant 0 : i32
    %dma_wait3A_50 = tpu.memref_slice %arg4[%add3A_44, %dma_wait3A_48, %dma_wait3A_49] : memref<4096x200x64xf32, #tpu.memory_space<hbm>> -> memref<1x200x64xf32, #tpu.memory_space<hbm>>
    %dma_wait3A_51 = tpu.memref_squeeze %dma_wait3A_50 : memref<1x200x64xf32, #tpu.memory_space<hbm>> -> memref<200x64xf32, #tpu.memory_space<hbm>>
    tpu.wait_dma2 semaphore(%arg12 : memref<!tpu.dma_semaphore, #tpu.memory_space<semaphore_mem>>) src(%arg9 : memref<200x64xf32, #tpu.memory_space<vmem>>) dst(%dma_wait3A_51 : memref<200x64xf32, #tpu.memory_space<hbm>>)
    %add3A_52 = arith.constant 127 : i32
    %add3A_53 = arith.addi %mul3A_2, %add3A_52 : i32
    %dma_wait3A_54 = arith.constant 0 : i32
    %dma_wait3A_55 = arith.constant 0 : i32
    %dma_wait3A_56 = tpu.memref_slice %arg4[%add3A_53, %dma_wait3A_54, %dma_wait3A_55] : memref<4096x200x64xf32, #tpu.memory_space<hbm>> -> memref<1x200x64xf32, #tpu.memory_space<hbm>>
    %dma_wait3A_57 = tpu.memref_squeeze %dma_wait3A_56 : memref<1x200x64xf32, #tpu.memory_space<hbm>> -> memref<200x64xf32, #tpu.memory_space<hbm>>
    %dma_wait3A_58 = arith.constant 0 : i32
    %dma_wait3A_59 = arith.constant 0 : i32
    %dma_wait3A_60 = tpu.memref_slice %arg4[%add3A_53, %dma_wait3A_58, %dma_wait3A_59] : memref<4096x200x64xf32, #tpu.memory_space<hbm>> -> memref<1x200x64xf32, #tpu.memory_space<hbm>>
    %dma_wait3A_61 = tpu.memref_squeeze %dma_wait3A_60 : memref<1x200x64xf32, #tpu.memory_space<hbm>> -> memref<200x64xf32, #tpu.memory_space<hbm>>
    tpu.wait_dma2 semaphore(%arg12 : memref<!tpu.dma_semaphore, #tpu.memory_space<semaphore_mem>>) src(%arg10 : memref<200x64xf32, #tpu.memory_space<vmem>>) dst(%dma_wait3A_61 : memref<200x64xf32, #tpu.memory_space<hbm>>)
    return
  }
}

module attributes {stable_mosaic.version = 14 : i64} {
  func.func @body(%arg0: i32, %arg1: memref<64x4096xf32, #tpu.memory_space<vmem>>, %arg2: memref<4096x128xf32, #tpu.memory_space<vmem>>) attributes {dimension_semantics = [#tpu.dimension_semantics<arbitrary>], iteration_bounds = array<i64: 245>, scalar_prefetch = 0 : i64, scratch_operands = 0 : i64, tpu.core_type = #tpu.core_type<tc>, window_params = [{transform_indices = @transform_0, window_bounds = array<i64: 64, 4096>}, {transform_indices = @transform_1, window_bounds = array<i64: 4096, 128>}]} {
    %get3A = arith.constant 0 : index
    %get3A_0 = arith.constant 0 : index
    %get3A_1 = vector.load %arg1[%get3A, %get3A_0] : memref<64x4096xf32, #tpu.memory_space<vmem>>, vector<64x4096xf32>
    %transpose3A = tpu.transpose %get3A_1, [1, 0] : vector<64x4096xf32> -> vector<4096x64xf32>
    %mul3A = arith.constant 8.000000e+00 : f32
    %mul3A_2 = vector.broadcast %mul3A : f32 to vector<4096x64xf32>
    %mul3A_3 = arith.mulf %transpose3A, %mul3A_2 : vector<4096x64xf32>
    %jit3A = arith.constant 0 : i32
    %convert_element_type3A = arith.sitofp %jit3A : i32 to f32
    %pad3A = vector.broadcast %convert_element_type3A : f32 to vector<4096x64xf32>
    %pad3A_4 = tpu.concatenate %mul3A_3, %pad3A in 1 : vector<4096x64xf32>, vector<4096x64xf32> -> vector<4096x128xf32>
    %swap3A = arith.constant 0 : index
    %swap3A_5 = arith.constant 0 : index
    %swap3A_6 = vector.load %arg2[%swap3A, %swap3A_5] : memref<4096x128xf32, #tpu.memory_space<vmem>>, vector<4096x128xf32>
    tpu.vector_store %arg2[%swap3A, %swap3A_5], %pad3A_4 {strides = array<i32>} : memref<4096x128xf32, #tpu.memory_space<vmem>>, vector<4096x128xf32>,
    return
  }
  func.func @transform_0(%arg0: i32) -> (i32, i32) {
    %c0_i32 = arith.constant 0 : i32
    %c0_i32_0 = arith.constant 0 : i32
    return %c0_i32, %arg0 : i32, i32
  }
  func.func @transform_1(%arg0: i32) -> (i32, i32) {
    %c0_i32 = arith.constant 0 : i32
    %c0_i32_0 = arith.constant 0 : i32
    return %arg0, %c0_i32 : i32, i32
  }
}

</mosaic_0001>

<sc_bundles>
// kernel: kernel.4.cloned.1.call-start
scs
__scs_entry_jumppad:
0x0: {  	(pc) =	sbr.rel $0x88, $3  }
0x1: {  	(tag) =	ssettag $0x0;
	lr =	simm.s32 $0x1  }
0x2: {  	[smem:$0x3F9F] =	sst lr;
	_ =	strace $0xD0000000  }
0x3: {  	_ = 	snop  }
0x4: {  	_ = 	snop  }
0x5: {  	_ = 	snop  }
0x6: {  	_ = 	snop  }
0x7: {  	_ = 	snop  }
__scs_overlays_trampoline_lowered:
0x8: {  	[smem:$0x3FAE] =	sst s0  }
0x9: {  	[smem:$0x3FAF] =	sst s1  }
0xa: {  	[smem:$0x3FB0] =	sst s2  }
0xb: {  	[smem:$0x3FB1] =	sst s3  }
0xc: {  	[smem:$0x3FB2] =	sst s4  }
0xd: {  	[smem:$0x3FB3] =	sst s5  }
0xe: {  	[smem:$0x3FB4] =	sst s6  }
0xf: {  	[smem:$0x3FB5] =	sst s7  }
0x10: {  	[smem:$0x3FB6] =	sst s8  }
0x11: {  	[smem:$0x3FB7] =	sst s9;
	s0 =	simm.s32 @!p0 $0x0  }
0x12: {  	s1 =	sld [smem:$0x3F9D];
	s0 =	simm.s32 @p0 $0x1  }
0x13: {  	[smem:$0x3FB8] =	sst s0;
	s0 =	simm.s32 @!p1 $0x0  }
0x14: {  	s2 =	sld [smem:$0x3F9C];
	s0 =	simm.s32 @p1 $0x1  }
0x15: {  	[smem:$0x3FB9] =	sst s0;
	s0 =	simm.s32 @!p2 $0x0  }
0x16: {  	s3 =	sld [smem:$0x3FDB];
	s0 =	simm.s32 @p2 $0x1  }
0x17: {  	s4 =	simm.s32 $0x1BF5;
	[smem:$0x3FBB] =	sst s0  }
0x18: {  	s0 =	sld [smem:$0x3F9E];
	_ =	swait.ge [sflag:s4], $0x0  }
0x19: {  	s7 =	sld [smem:$0x3F9F]  }
0x1a: {  	s8 =	sadd.s32 $0xFFFFE003, lr  }
0x1b: {  	s9 =	sadd.s32 $0xFFFFFEF7, lr;
	s5 =	simm.s32 $0xFFFFFFFF;
	p2 =	slt.u32 s8, $0xFFFFF086  }
0x1c: {  	p1 =	slt.u32 s9, $0xF7A;
	s5 =	simm.s32 @!p2 $0x0  }
0x1d: {  	s5 =	simm.s32 @p1 $0x1;
	p0 =	seq.s32 s7, s2  }
0x1e: {  	s7 =	smul.u32 @!p0 $0xF7A, s2;
	p2 =	seq.s32 @!p0 s5, $0x0  }
0x1f: {  	s9 =	smul.u32 $0xF7A, s1;
	s8 =	simm.s32 @!p0 $0x1BF5;
	p2 =	por !p2, p0  }
0x20: {  	[sflag:s8] =	ssyncset.s32 @!p0 $0xFFFFF086;
	s6 =	sadd.s32 @!p0 s3, s7;
	s7 =	simm.s32 @!p0 $0x108  }
0x21: {  	s3 =	sadd.s32 s3, s9;
	s6 =	sadd.s32 @!p0 $0x88, s6;
	s7 =	simm.s32 @p2 $0x1082  }
0x22: {  	[simem:s7], [sflag:s8] =	dma.local @!p0 [hbm:s6], $0xF7A  }
0x23: {  	s9 =	sor.u32 $0xD0000000, s2;
	s6 =	simm.s32 $0x108;
	_ =	swait.ge @!p0 [sflag:s8], $0x0  }
0x24: {  	s3 =	sadd.s32 $0x88, s3;
	s6 =	simm.s32 @!p1 $0x1082;
	[sflag:s4] =	ssyncset.s32 $0xFFFFF086  }
0x25: {  	[simem:s6], [sflag:s4] =	dma.local [hbm:s3], $0xF7A  }
0x26: {  	[smem:$0x3F9F] =	sst s1;
	(tag) =	ssettag s2;
	_ =	strace s9  }
0x27: {  	s1 =	sld [smem:$0x3FAF]  }
0x28: {  	s2 =	sld [smem:$0x3FB0]  }
0x29: {  	s4 =	sld [smem:$0x3FB2]  }
0x2a: {  	p0 =	seq.s32 s5, $0x0;
	s5 =	sld [smem:$0x3FB3]  }
0x2b: {  	s6 =	sld [smem:$0x3FB4]  }
0x2c: {  	s7 =	sld [smem:$0x3FB5]  }
0x2d: {  	s3 =	simm.s32 $0x108;
	s8 =	sld [smem:$0x3FB6]  }
0x2e: {  	s3 =	simm.s32 @!p0 $0x1082;
	s9 =	sld [smem:$0x3FB7]  }
0x2f: {  	lr =	sadd.s32 s0, s3;
	s0 =	sld [smem:$0x3FAE]  }
0x30: {  	s3 =	sld [smem:$0x3FB1]  }
0x31: {  	[smem:$0x3FBA] =	sst s10  }
0x32: {  	s10 =	sld [smem:$0x3FB8];
	_ =	sdelay $0x3  }
0x33: {  	p0 =	seq.s32 s10, $0x1;
	s10 =	sld [smem:$0x3FBA];
	_ =	sdelay $0x3  }
0x34: {  	[smem:$0x3FBA] =	sst s10  }
0x35: {  	s10 =	sld [smem:$0x3FB9];
	_ =	sdelay $0x3  }
0x36: {  	p1 =	seq.s32 s10, $0x1;
	s10 =	sld [smem:$0x3FBA];
	_ =	sdelay $0x3  }
0x37: {  	[smem:$0x3FBA] =	sst s10  }
0x38: {  	s10 =	sld [smem:$0x3FBB]  }
0x39: {  	_ = 	snop;
	(pc) =	sbr.ind lr, $3  }
0x3a: {  	_ = 	snop  }
0x3b: {  	_ = 	snop  }
0x3c: {  	p2 =	seq.s32 s10, $0x1;
	s10 =	sld [smem:$0x3FBA]  }
0x3d: {  	_ =	shalt  }
0x3e: {  	_ =	shalt  }
0x3f: {  	_ =	shalt  }
0x40: {  	_ =	shalt  }
0x41: {  	_ =	shalt  }
0x42: {  	_ =	shalt  }
0x43: {  	_ =	shalt  }
0x44: {  	_ =	shalt  }
0x45: {  	_ =	shalt  }
0x46: {  	_ =	shalt  }
0x47: {  	_ =	shalt  }
0x48: {  	_ =	shalt  }
0x49: {  	_ =	shalt  }
0x4a: {  	_ =	shalt  }
0x4b: {  	_ =	shalt  }
0x4c: {  	_ =	shalt  }
0x4d: {  	_ =	shalt  }
0x4e: {  	_ =	shalt  }
0x4f: {  	_ =	shalt  }
0x50: {  	_ =	shalt  }
0x51: {  	_ =	shalt  }
0x52: {  	_ =	shalt  }
0x53: {  	_ =	shalt  }
0x54: {  	_ =	shalt  }
0x55: {  	_ =	shalt  }
0x56: {  	_ =	shalt  }
0x57: {  	_ =	shalt  }
0x58: {  	_ =	shalt  }
0x59: {  	_ =	shalt  }
0x5a: {  	_ =	shalt  }
0x5b: {  	_ =	shalt  }
0x5c: {  	_ =	shalt  }
0x5d: {  	_ =	shalt  }
0x5e: {  	_ =	shalt  }
0x5f: {  	_ =	shalt  }
0x60: {  	_ =	shalt  }
0x61: {  	_ =	shalt  }
0x62: {  	_ =	shalt  }
0x63: {  	_ =	shalt  }
0x64: {  	_ =	shalt  }
0x65: {  	_ =	shalt  }
0x66: {  	_ =	shalt  }
0x67: {  	_ =	shalt  }
0x68: {  	_ =	shalt  }
0x69: {  	_ =	shalt  }
0x6a: {  	_ =	shalt  }
0x6b: {  	_ =	shalt  }
0x6c: {  	_ =	shalt  }
0x6d: {  	_ =	shalt  }
0x6e: {  	_ =	shalt  }
0x6f: {  	_ =	shalt  }
0x70: {  	_ =	shalt  }
0x71: {  	_ =	shalt  }
0x72: {  	_ =	shalt  }
0x73: {  	_ =	shalt  }
0x74: {  	_ =	shalt  }
0x75: {  	_ =	shalt  }
0x76: {  	_ =	shalt  }
0x77: {  	_ =	shalt  }
0x78: {  	_ =	shalt  }
0x79: {  	_ =	shalt  }
0x7a: {  	_ =	shalt  }
0x7b: {  	_ =	shalt  }
0x7c: {  	_ =	shalt  }
0x7d: {  	_ =	shalt  }
0x7e: {  	_ =	shalt  }
0x7f: {  	_ =	shalt  }
0x80: {  	_ =	shalt  }
0x81: {  	_ =	shalt  }
0x82: {  	_ =	shalt  }
0x83: {  	_ =	shalt  }
0x84: {  	_ =	shalt  }
0x85: {  	_ =	shalt  }
0x86: {  	_ =	shalt  }
0x87: {  	_ =	shalt  }
.Lfunc_end0:
.L_simem_size_0:
called_computation_lowered:
.L_overlay_start_0:
0x88: {  	s2 =	sld [smem:$0x3FD9]  }
0x89: {  	s3 =	sld [smem:$0x3FFE];
	_ =	sdelay $0x1  }
0x8a: {  	s1 =	srdreg.scid  }
0x8b: {  	s0 =	sand.u32 $0x1, s1  }
0x8c: {  	s17 =	sshll.u32 s0, $0xA;
	s2 =	sadd.s32 s3, s2  }
0x8d: {  	s2 =	sadd.s32 s2, s17  }
0x8e: {  	[smem:$0x3FC6] =	sst s2  }
0x8f: {  	_ = 	snop  }
0x90: {  	s2 =	sld [smem:$0x3FD0];
	(tm) =	ssettm $0x1  }
0x91: {  	s18 =	sld [smem:$0x3FFB];
	_ =	sdelay $0x3  }
0x92: {  	_ =	strace s18  }
0x93: {  	s3 =	sld [smem:$0x3FFC];
	_ =	sdelay $0x3  }
0x94: {  	_ =	strace s3  }
0x95: {  	s3 =	sld [smem:$0x3FFD];
	_ =	sdelay $0x3  }
0x96: {  	_ =	strace s3  }
0x97: {  	_ =	strace $0x8FFFFFFF  }
0x98: {  	s19 =	sld [smem:$0x3FDB];
	_ =	sdelay $0x1  }
0x99: {  	s4 =	simm.s32 $_scs_section_size  }
0x9a: {  	s5 =	simm.s32 $_size__tile_overlayer_lowered;
	s6 =	simm.s32 $_tile_overlayer_lowered  }
0x9b: {  	s22 =	simm.s32 $0x1BFF;
	s21 =	sshll.u32 s6, $0x1;
	s3 =	sadd.s32 s4, s19  }
0x9c: {  	s7 =	simm.s32 $0x0;
	s20 =	sshll.u32 s5, $0x1;
	s5 =	sadd.s32 s21, s3  }
0x9d: {  	[timem:s7], [sflag:s22] =	dma.local [hbm:s5], s20  }
0x9e: {  	_ =	swait.ge [sflag:s22], s20  }
0x9f: {  	s4 =	ssub.s32 $0x0, s20;
	[sflag:s22] =	ssyncset.done $0x0  }
0xa0: {  	[sflag:s22] =	ssyncadd.s32 s4;
	_ =	sdelay $0x1  }
0xa1: {  	s23 =	simm.s32 $0x1B8B  }
0xa2: {  	_ =	swait.ge [sflag:s23], $0x1  }
0xa3: {  	[sflag:s23] =	ssyncset.done $0x0  }
0xa4: {  	s25 =	simm.s32 $0x1B8E;
	s24 =	sld [smem:$0x3FFE];
	[sflag:s23] =	ssyncadd.s32 $0xFFFFFFFF  }
0xa5: {  	s26 =	simm.s32 $execute0_lowered;
	[smem:$0x3FD2] =	sst s25  }
0xa6: {  	s5 =	sshll.u32 s26, $0x1;
	_ =	strace $0x80000046;
	[dreg:$0x1] =	wrdreg $0xFFFFFFFF  }
0xa7: {  	s28 =	simm.s32 $_size_execute0_lowered;
	s3 =	sadd.s32 s3, s5;
	[dreg:$0x0] =	wrdreg $0x0  }
0xa8: {  	s5 =	sshll.u32 s28, $0x1;
	[dreg:$0x2] =	wrdreg s3  }
0xa9: {  	[dreg:$0x3] =	wrdreg s5  }
0xaa: {  	[dreg:$0x4] =	wrdreg $0xC0  }
0xab: {  	_ =	task [dreg:s7], $0x5FFFF  }
0xac: {  	[dreg:$0x1] =	wrdreg $0xFFFFFFFF  }
0xad: {  	[dreg:$0x0] =	wrdreg $0x60  }
0xae: {  	[dreg:$0x2] =	wrdreg s2  }
0xaf: {  	[dreg:$0x3] =	wrdreg s24  }
0xb0: {  	[dreg:$0x4] =	wrdreg $0x9  }
0xb1: {  	_ =	task.clear_ibuf [dreg:s7], $0x5FFFF;
	_ =	strace $0x90000046  }
0xb2: {  	s29 =	simm.s32 $0x9;
	_ =	strace $0x80000048  }
0xb3: {  	_ =	swait.ge [sflag:s29], $0x1  }
0xb4: {  	[sflag:s29] =	ssyncadd.s32 $0xFFFFFFFF  }
0xb5: {  	_ =	strace $0x90000048  }
0xb6: {  	_ =	sfence  }
0xb7: {  	s30 =	sld [smem:$0x0];
	_ =	sdelay $0x2  }
0xb8: {  	s31 =	sshll.u32 s1, $0xD;
	s1 =	sshrl.u32 s1, $0x2  }
0xb9: {  	s3 =	sand.u32 $0x4000, s31;
	s1 =	sadd.s32 s1, s30  }
0xba: {  	s0 =	sor.u32 s3, s0;
	s1 =	sshll.u32 s1, $0x11  }
0xbb: {  	s0 =	sor.u32 s1, s0  }
0xbc: {  	s0 =	sadd.s32 $0x8F2B, s0  }
0xbd: {  	[sflag:s0] =	ssyncadd.remote.s32 $0x1  }
0xbe: {  	_ =	sfence.sel $0xFFFF  }
0xbf: {  	[dreg:$0x0] =	wrdreg $0xFFFFFFFF;
	(pc) =	sbr.abs _section_cstart, $3  }
0xc0: {  	[dreg:$0x1] =	wrdreg $0xFFFFFFFF  }
0xc1: {  	_ =	task.clear_ibuf [dreg:s7], $0x2FFFF;
	_ =	strace $0x9FFFFFFF  }
0xc2: {  	(tm) =	ssettm $0x7FFFFFFF  }
0xc3: {  	_ =	shalt  }
tec
execute0_lowered:
.L_overlay_start_1:
0x0: {  	(tag) =	ssettag $0x1  }
0x1: {  	s1 =	rddreg [dreg:$0x0]  }
0x2: {  	s0 =	rddreg [dreg:$0x1];
	s4 =	srdreg.scid;
	s3 =	simm.s32 $0x0  }
0x3: {  	s2 =	stileid.u32;
	s10 =	simm.s32 $0x80;
	s11 =	simm.s32 $0x400  }
0x4: {  	s12 =	simm.s32 $0x3;
	s13 =	simm.s32 $0x68;
	s14 =	simm.s32 $0x200  }
0x5: {  	s15 =	simm.s32 $0x60;
	s16 =	simm.s32 $0x3600;
	s17 =	simm.s32 $0x100  }
0x6: {  	s18 =	simm.s32 $0x6600;
	s19 =	simm.s32 $0x168;
	s20 =	simm.s32 $0x9A00  }
0x7: {  	s21 =	simm.s32 $0x1;
	s22 =	simm.s32 $0xCA00;
	s23 =	simm.s32 $0x12E00  }
0x8: {  	s24 =	simm.s32 $0x2;
	s25 =	simm.s32 $0x0;
	s4 =	sand.u32 $0x1, s4  }
.Ltmp0:
0x9: {  	s5 =	sshll.u32 s2, $0x8;
	s6 =	sshll.u32 s4, $0x7;
	(pc) =	sbr.rel .LBB2_1-.Ltmp0, $4  }
0xa: {  	[smem:$0x7FF] =	sst s3;
	s7 =	ssub.s32 $0x2, s4;
	s4 =	sor.u32 s6, s5  }
0xb: {  	_ =	strace $0x80000047;
	s8 =	sshrl.u32 s7, $0x1;
	s9 =	sshll.u32 s4, $0x5  }
0xc: {  	s5 =	sadd.s32 $0x400, s0;
	s31 =	ssub.s32 s7, s8;
	s7 =	sadd.s32 s1, s9  }
0xd: {  	s6 =	sadd.s32 $0xF42800, s0;
	s9 =	smax.u32 s31, $0x1;
	s8 =	sadd.s32 $0x10, s7  }
.LBB2_10:
0xe: {  	s25 =	sadd.s32 $0x1, s25  }
0xf: {  	_ =	swait.ge [sflag:s24], $0x6400;
	p0 =	sne.s32 s25, s9  }
.Ltmp1:
0x10: {  	[sflag:s24] =	ssyncset.done $0x0;
	(pc) =	sbr.rel @!p0 .LBB2_11-.Ltmp1, $4  }
0x11: {  	[sflag:s24] =	ssyncadd.s32 $0xFFFF9C00  }
0x12: {  	_ =	swait.ge [sflag:s24], $0x6400  }
0x13: {  	[sflag:s24] =	ssyncset.done $0x0  }
0x14: {  	[sflag:s24] =	ssyncadd.s32 $0xFFFF9C00  }
.LBB2_1:
0x15: {  	[tilespmem:s3], [sflag:$0x3] =	stream.strided.gather [hbm4b:s7+s10], $0x100, s11, s10, $0x38;
	[tilespmem:$0x19200] =	vst v63  }
0x16: {  	_ =	swait.ge [sflag:s12], $0x100  }
0x17: {  	[sflag:s12] =	ssyncset.done $0x0  }
0x18: {  	[sflag:s12] =	ssyncadd.s32 $0xFFFFFF00  }
0x19: {  	[tilespmem:s14], [sflag:$0x1] =	stream.indirect.gather [hbm4b:s5+s13], $0x80, s3, s13, $0xb8;
	[tilespmem:$0x19200] =	vst v63  }
0x1a: {  	_ = 	snop  }
0x1b: {  	[tilespmem:s16], [sflag:$0x1] =	stream.indirect.gather [hbm4b:s5+s15], $0x80, s13, s15, $0xb8;
	[tilespmem:$0x19200] =	vst v63  }
0x1c: {  	_ = 	snop  }
0x1d: {  	[tilespmem:s17], [sflag:$0x3] =	stream.strided.gather [hbm4b:s8+s10], $0x100, s11, s10, $0x38;
	[tilespmem:$0x19200] =	vst v63  }
0x1e: {  	_ =	swait.ge [sflag:s12], $0x100  }
0x1f: {  	[sflag:s12] =	ssyncset.done $0x0  }
0x20: {  	[sflag:s12] =	ssyncadd.s32 $0xFFFFFF00  }
0x21: {  	[tilespmem:s18], [sflag:$0x1] =	stream.indirect.gather [hbm4b:s5+s13], $0x80, s17, s13, $0xb8;
	[tilespmem:$0x19200] =	vst v63  }
0x22: {  	s26 =	simm.s32 $0x0  }
0x23: {  	[tilespmem:s20], [sflag:$0x1] =	stream.indirect.gather [hbm4b:s5+s15], $0x80, s19, s15, $0xb8;
	[tilespmem:$0x19200] =	vst v63  }
.LBB2_2:
0x24: {  	p0 =	seq.s32 s26, $0x0  }
0x25: {  	s0 =	simm.s32 @!p0 $0x2  }
0x26: {  	_ =	swait.ge @!p0 [sflag:s0], $0x6400  }
0x27: {  	[sflag:s0] =	ssyncset.done @!p0 $0x0  }
0x28: {  	[sflag:s0] =	ssyncadd.s32 @!p0 $0xFFFF9C00  }
0x29: {  	_ =	swait.ge [sflag:s21], $0x3400  }
0x2a: {  	[sflag:s21] =	ssyncset.done $0x0  }
0x2b: {  	[sflag:s21] =	ssyncadd.s32 $0xFFFFCC00  }
0x2c: {  	_ =	swait.ge [sflag:s21], $0x3000  }
0x2d: {  	[sflag:s21] =	ssyncset.done $0x0  }
0x2e: {  	s29 =	simm.s32 $0xB0;
	[sflag:s21] =	ssyncadd.s32 $0xFFFFD000  }
0x2f: {  	v3 =	vld [tilespmem:s29+$0x200]  }
0x30: {  	v4 =	vld [tilespmem:s29+$0x150]  }
0x31: {  	v5 =	vld [tilespmem:s29+$0x160]  }
0x32: {  	v2 =	vld [tilespmem:s29+$0x170]  }
0x33: {  	v0 =	vld [tilespmem:s29+$0x180]  }
0x34: {  	v1 =	vld [tilespmem:s29+$0x1D0];
	[tilespmem:s29+$0xCA00] =	vst v3  }
0x35: {  	[tilespmem:s29+$0xC950] =	vst v4;
	v3 =	vld [tilespmem:s29+$0x1E0]  }
0x36: {  	s28 =	sshll.u32 s26, $0x1;
	s30 =	simm.s32 $0x1B0;
	s31 =	simm.s32 $0xAC0;
	[tilespmem:s29+$0xC960] =	vst v5;
	v4 =	vld [tilespmem:s29+$0x1F0]  }
.LBB2_3:
0x37: {  	p0 =	sne.s32 s31, $0x18EC0;
	v5 =	vld [tilespmem:s30+$0x200];
	[tilespmem:s29+$0xC970] =	vst v2  }
0x38: {  	v6 =	vld [tilespmem:s30+$0x150];
	[tilespmem:s29+$0xC980] =	vst v0  }
0x39: {  	v7 =	vld [tilespmem:s30+$0x160];
	[tilespmem:s29+$0xC9D0] =	vst v1  }
.Ltmp2:
0x3a: {  	v2 =	vld [tilespmem:s30+$0x170];
	[tilespmem:s29+$0xC9E0] =	vst v3;
	(pc) =	sbr.rel @p0 .LBB2_3-.Ltmp2, $4  }
0x3b: {  	v0 =	vld [tilespmem:s30+$0x180];
	[tilespmem:s29+$0xC9F0] =	vst v4;
	s29 =	smov.u32 s30  }
0x3c: {  	v1 =	vld [tilespmem:s29+$0x1D0];
	[tilespmem:s29+$0xCA00] =	vst v5  }
0x3d: {  	[tilespmem:s29+$0xC950] =	vst v6;
	v3 =	vld [tilespmem:s29+$0x1E0]  }
0x3e: {  	s30 =	sshra.s32 s31, $0x2;
	s31 =	sadd.s32 $0x400, s31;
	[tilespmem:s29+$0xC960] =	vst v7;
	v4 =	vld [tilespmem:s29+$0x1F0]  }
0x3f: {  	v5 =	vld [tilespmem:s30+$0x200];
	[tilespmem:s29+$0xC970] =	vst v2  }
0x40: {  	v2 =	vld [tilespmem:s30+$0x150];
	[tilespmem:s29+$0xC980] =	vst v0  }
0x41: {  	v0 =	vld [tilespmem:s30+$0x160];
	[tilespmem:s29+$0xC9D0] =	vst v1  }
0x42: {  	v1 =	vld [tilespmem:s30+$0x170];
	[tilespmem:s29+$0xC9E0] =	vst v3  }
0x43: {  	v3 =	vld [tilespmem:s30+$0x180];
	[tilespmem:s29+$0xC9F0] =	vst v4  }
0x44: {  	v4 =	vld [tilespmem:s30+$0x1D0];
	[tilespmem:s30+$0xCA00] =	vst v5  }
0x45: {  	v62 =	vld [tilespmem:s30+$0x1E0];
	[tilespmem:s30+$0xC950] =	vst v2  }
0x46: {  	v63 =	vld [tilespmem:s30+$0x1F0];
	[tilespmem:s30+$0xC960] =	vst v0  }
0x47: {  	[tilespmem:s30+$0xC970] =	vst v1  }
0x48: {  	s0 =	sadd.s32 s4, s28;
	[tilespmem:s30+$0xC980] =	vst v3  }
0x49: {  	s0 =	smul.u32 $0xC80, s0;
	[tilespmem:s30+$0xC9D0] =	vst v4  }
0x4a: {  	[tilespmem:s30+$0xC9E0] =	vst v62  }
0x4b: {  	p0 =	seq.s32 s26, $0x3F;
	s0 =	sadd.s32 s6, s0;
	[tilespmem:s30+$0xC9F0] =	vst v63  }
0x4c: {  	[hbm4b:s0+s3] =	stream.linear.scatter [tilespmem:s22], [sflag:$0x2], $0x6400, $0x38;
	[tilespmem:$0x19200] =	vst v63  }
0x4d: {  	s0 =	sadd.s32 @!p0 $0x2, s28  }
0x4e: {  	s29 =	sadd.s32 @!p0 s4, s0;
	s0 =	sshll.u32 @!p0 s0, $0x4  }
0x4f: {  	s29 =	sshll.u32 @!p0 s29, $0x5;
	s0 =	sand.u32 @!p0 $0x60, s0  }
0x50: {  	s31 =	simm.s32 @!p0 $0x0;
	s29 =	sand.u32 @!p0 $0x3FF00, s29;
	s0 =	sadd.s32 @!p0 s1, s0  }
0x51: {  	s30 =	simm.s32 @!p0 $0x400;
	s0 =	sadd.s32 @!p0 s29, s0;
	s29 =	simm.s32 @!p0 $0x80  }
0x52: {  	[tilespmem:s31], [sflag:$0x3] =	stream.strided.gather @!p0 [hbm4b:s0+s29], $0x100, s30, s29, $0x38;
	[tilespmem:$0x19200] =	vst v63  }
0x53: {  	s0 =	simm.s32 @!p0 $0x3  }
0x54: {  	p1 =	seq.s32 @!p0 s26, $0x0;
	_ =	swait.ge @!p0 [sflag:s0], $0x100  }
0x55: {  	p1 =	por p0, !p1;
	s29 =	simm.s32 @!p0 $0x200;
	[sflag:s0] =	ssyncset.done @!p0 $0x0  }
.Ltmp3:
0x56: {  	[sflag:s0] =	ssyncadd.s32 @!p0 $0xFFFFFF00;
	s0 =	simm.s32 @!p0 $0x68;
	(pc) =	sbr.rel @!p1 .LBB2_6-.Ltmp3, $4  }
0x57: {  	[tilespmem:s29], [sflag:$0x1] =	stream.indirect.gather @!p0 [hbm4b:s5+s0], $0x80, s31, s0, $0xb8;
	[tilespmem:$0x19200] =	vst v63  }
0x58: {  	s30 =	simm.s32 @!p0 $0x3600;
	s29 =	simm.s32 @!p0 $0x60  }
0x59: {  	[tilespmem:s30], [sflag:$0x1] =	stream.indirect.gather @!p0 [hbm4b:s5+s29], $0x80, s0, s29, $0xb8;
	[tilespmem:$0x19200] =	vst v63  }
0x5a: {  	s29 =	sor.u32 @!p0 $0x1, s28  }
0x5b: {  	_ =	swait.ge [sflag:s24], $0x6400  }
0x5c: {  	[sflag:s24] =	ssyncset.done $0x0  }
0x5d: {  	s29 =	simm.s32 @p0 $0x7F;
	[sflag:s24] =	ssyncadd.s32 $0xFFFF9C00  }
.LBB2_6:
0x5e: {  	_ =	swait.ge [sflag:s21], $0x3400  }
0x5f: {  	[sflag:s21] =	ssyncset.done $0x0  }
0x60: {  	[sflag:s21] =	ssyncadd.s32 $0xFFFFCC00  }
0x61: {  	_ =	swait.ge [sflag:s21], $0x3000  }
0x62: {  	[sflag:s21] =	ssyncset.done $0x0  }
0x63: {  	s30 =	simm.s32 $0xB0;
	[sflag:s21] =	ssyncadd.s32 $0xFFFFD000  }
0x64: {  	v3 =	vld [tilespmem:s30+$0x6600]  }
0x65: {  	v4 =	vld [tilespmem:s30+$0x6550]  }
0x66: {  	v5 =	vld [tilespmem:s30+$0x6560]  }
0x67: {  	v2 =	vld [tilespmem:s30+$0x6570]  }
0x68: {  	v0 =	vld [tilespmem:s30+$0x6580]  }
0x69: {  	v1 =	vld [tilespmem:s30+$0x65D0];
	[tilespmem:s30+$0x12E00] =	vst v3  }
0x6a: {  	[tilespmem:s30+$0x12D50] =	vst v4;
	v3 =	vld [tilespmem:s30+$0x65E0]  }
0x6b: {  	s31 =	simm.s32 $0x1B0;
	s0 =	simm.s32 $0xAC0;
	[tilespmem:s30+$0x12D60] =	vst v5;
	v4 =	vld [tilespmem:s30+$0x65F0]  }
.LBB2_7:
0x6c: {  	p1 =	sne.s32 s0, $0x18EC0;
	v5 =	vld [tilespmem:s31+$0x6600];
	[tilespmem:s30+$0x12D70] =	vst v2  }
0x6d: {  	v6 =	vld [tilespmem:s31+$0x6550];
	[tilespmem:s30+$0x12D80] =	vst v0  }
0x6e: {  	v7 =	vld [tilespmem:s31+$0x6560];
	[tilespmem:s30+$0x12DD0] =	vst v1  }
.Ltmp4:
0x6f: {  	v2 =	vld [tilespmem:s31+$0x6570];
	[tilespmem:s30+$0x12DE0] =	vst v3;
	(pc) =	sbr.rel @p1 .LBB2_7-.Ltmp4, $4  }
0x70: {  	v0 =	vld [tilespmem:s31+$0x6580];
	[tilespmem:s30+$0x12DF0] =	vst v4;
	s30 =	smov.u32 s31  }
0x71: {  	v1 =	vld [tilespmem:s30+$0x65D0];
	[tilespmem:s30+$0x12E00] =	vst v5  }
0x72: {  	[tilespmem:s30+$0x12D50] =	vst v6;
	v3 =	vld [tilespmem:s30+$0x65E0]  }
0x73: {  	s31 =	sshra.s32 s0, $0x2;
	s0 =	sadd.s32 $0x400, s0;
	[tilespmem:s30+$0x12D60] =	vst v7;
	v4 =	vld [tilespmem:s30+$0x65F0]  }
0x74: {  	v5 =	vld [tilespmem:s31+$0x6600];
	[tilespmem:s30+$0x12D70] =	vst v2  }
0x75: {  	v2 =	vld [tilespmem:s31+$0x6550];
	[tilespmem:s30+$0x12D80] =	vst v0  }
0x76: {  	v0 =	vld [tilespmem:s31+$0x6560];
	[tilespmem:s30+$0x12DD0] =	vst v1  }
0x77: {  	v1 =	vld [tilespmem:s31+$0x6570];
	[tilespmem:s30+$0x12DE0] =	vst v3  }
0x78: {  	v3 =	vld [tilespmem:s31+$0x6580];
	[tilespmem:s30+$0x12DF0] =	vst v4  }
0x79: {  	v4 =	vld [tilespmem:s31+$0x65D0];
	[tilespmem:s31+$0x12E00] =	vst v5  }
0x7a: {  	v62 =	vld [tilespmem:s31+$0x65E0];
	[tilespmem:s31+$0x12D50] =	vst v2  }
0x7b: {  	v63 =	vld [tilespmem:s31+$0x65F0];
	[tilespmem:s31+$0x12D60] =	vst v0  }
0x7c: {  	[tilespmem:s31+$0x12D70] =	vst v1  }
.Ltmp5:
0x7d: {  	s0 =	sadd.s32 s4, s29;
	[tilespmem:s31+$0x12D80] =	vst v3;
	(pc) =	sbr.rel @p0 .LBB2_10-.Ltmp5, $4  }
0x7e: {  	s0 =	smul.u32 $0xC80, s0;
	[tilespmem:s31+$0x12DD0] =	vst v4  }
0x7f: {  	[tilespmem:s31+$0x12DE0] =	vst v62  }
0x80: {  	s0 =	sadd.s32 s6, s0;
	[tilespmem:s31+$0x12DF0] =	vst v63  }
0x81: {  	[hbm4b:s0+s3] =	stream.linear.scatter [tilespmem:s23], [sflag:$0x2], $0x6400, $0x38;
	[tilespmem:$0x19200] =	vst v63  }
0x82: {  	s0 =	sadd.s32 $0x3, s28  }
0x83: {  	s28 =	sadd.s32 s4, s0;
	s0 =	sshll.u32 s0, $0x4  }
0x84: {  	s28 =	sshll.u32 s28, $0x5;
	s0 =	sand.u32 $0x70, s0  }
0x85: {  	s28 =	sand.u32 $0x3FF00, s28;
	s0 =	sadd.s32 s1, s0  }
0x86: {  	s0 =	sadd.s32 s28, s0  }
0x87: {  	[tilespmem:s17], [sflag:$0x3] =	stream.strided.gather [hbm4b:s0+s10], $0x100, s11, s10, $0x38;
	[tilespmem:$0x19200] =	vst v63  }
0x88: {  	_ =	swait.ge [sflag:s12], $0x100  }
.Ltmp6:
0x89: {  	[sflag:s12] =	ssyncset.done $0x0;
	(pc) =	sbr.rel .LBB2_2-.Ltmp6, $4  }
0x8a: {  	[sflag:s12] =	ssyncadd.s32 $0xFFFFFF00  }
0x8b: {  	[tilespmem:s18], [sflag:$0x1] =	stream.indirect.gather [hbm4b:s5+s13], $0x80, s17, s13, $0xb8;
	[tilespmem:$0x19200] =	vst v63  }
0x8c: {  	s26 =	sadd.s32 $0x1, s26  }
0x8d: {  	[tilespmem:s20], [sflag:$0x1] =	stream.indirect.gather [hbm4b:s5+s15], $0x80, s19, s15, $0xb8;
	[tilespmem:$0x19200] =	vst v63  }
.LBB2_11:
0x8e: {  	_ =	sfence.sel $0x180000  }
0x8f: {  	[bflag:$0x0] =	sbarrier.arrive $0xFFFF  }
0x90: {  	_ =	strace $0x90000047  }
0x91: {  	[bflag:$0x2] =	sbarrier.arrive $0xFFFF  }
0x92: {  	p0 =	sne.s32 s2, $0x0;
	s0 =	rddreg [dreg:$0x2]  }
0x93: {  	s0 =	sadd.s32 @!p0 $0x100000, s0  }
0x94: {  	[sflag:s0] =	ssyncadd.tile.s32 @!p0 $0x1;
	_ =	shalt  }
.Lfunc_end2:
_tile_overlayer_lowered:
.L_overlay_start_2:
0x95: {  	(tag) =	ssettag $0x2  }
0x96: {  	s0 =	rddreg [dreg:$0x0];
	s2 =	stileid.u32  }
0x97: {  	s1 =	rddreg [dreg:$0x1];
	p0 =	sne.s32 s2, $0x0  }
0x98: {  	s3 =	rddreg [dreg:$0x2];
	[bflag:$0x3] =	sbarrier.arrive $0xFFFF;
	s2 =	simm.s32 @!p0 $0x1C03  }
0x99: {  	[timem:s3], [sflag:s2] =	dma.local @!p0 [hbm:s0], s1  }
0x9a: {  	s0 =	simm.s32 @!p0 $0x3  }
0x9b: {  	_ =	swait.ge @!p0 [sflag:s0], s1  }
0x9c: {  	s1 =	ssub.s32 @!p0 $0x0, s1;
	[sflag:s0] =	ssyncset.done @!p0 $0x0  }
0x9d: {  	[sflag:s0] =	ssyncadd.s32 @!p0 s1  }
0x9e: {  	[bflag:$0x3] =	sbarrier.arrive $0xFFFF  }
0x9f: {  	_ =	shalt  }

</sc_bundles>
